<compile_context>
chip_gen: v7x
topology: tpu7x:2x2x1
jax: 0.10.2.dev20260603
libtpu: 0.0.44.dev20260713+nightly
codegen_flags: <defaults>
</compile_context>

<pallas_src>
import functools

import jax
import jax.numpy as jnp
from jax import lax
from jax.experimental import pallas as pl
from jax.experimental.pallas import tpu as pltpu
from jax.experimental.pallas import tpu_sc as plsc

N = 10000
E = 320000
D = 128
C = 40
CP = 64
NC, NS = 2, 16
B = 200
NB = 100
EPAD = NS * NB * B
NPAD = 10240
ZR = NPAD // NS
RB = 400
GRID = N // RB


def _sc_agg_body(with_deg, split_cols, NBk, Bk, SL, *refs):
    if with_deg:
        (x_h, s3_h, d3_h, zr_h, zd_h, ones_h, pout_h, dout_h,
         acc, sidx, didx, rows, gsems, ssems, dacc, ones_v, dsems) = refs
    else:
        (x_h, s3_h, d3_h, zr_h, pout_h,
         acc, sidx, didx, rows, gsems, ssems) = refs
    c = lax.axis_index("c")
    s = lax.axis_index("s")
    w = s if split_cols else s * NC + c
    NB, B = NBk, Bk
    pltpu.sync_copy(zr_h.at[pl.ds(s * ZR, ZR)], acc.at[pl.ds(s * ZR, ZR)])
    if with_deg:
        pltpu.sync_copy(zd_h.at[pl.ds(s * ZR, ZR)], dacc.at[pl.ds(s * ZR, ZR)])
        pltpu.sync_copy(ones_h, ones_v)
    pltpu.sync_copy(s3_h.at[w], sidx)
    pltpu.sync_copy(d3_h.at[w], didx)
    plsc.subcore_barrier()

    def gather(j, u):
        gsrc = x_h.at[c] if split_cols else x_h
        return pltpu.make_async_copy(
            gsrc.at[sidx.at[j]], rows.at[j % SL], gsems.at[u])

    def scat(j, u):
        return pltpu.make_async_copy(
            rows.at[j % SL], acc.at[didx.at[j]], ssems.at[u])

    def dscat(j, u):
        return pltpu.make_async_copy(ones_v, dacc.at[didx.at[j]], dsems.at[u])

    gather(0, 0).start()

    def step(i, carry):
        for u in range(2):
            j = 2 * i + u
            v = (u + 1) % 2
            gather(j, u).wait()
            jp = j - (SL - 1)
            up = (u - (SL - 1)) % 2

            @pl.when(j >= SL - 1)
            def _():
                scat(jp, up).wait()
                if with_deg:
                    dscat(jp, up).wait()

            pltpu.async_copy(rows.at[j % SL], acc.at[didx.at[j]],
                             ssems.at[u], add=True)
            if with_deg:
                pltpu.async_copy(ones_v, dacc.at[didx.at[j]], dsems.at[u],
                                 add=True)

            @pl.when(j + 1 < NB)
            def _():
                gather(j + 1, v).start()
        return carry

    lax.fori_loop(0, NB // 2, step, 0)
    for jt in range(NB - SL + 1, NB):
        scat(jt, jt % 2).wait()
        if with_deg:
            dscat(jt, jt % 2).wait()
    plsc.subcore_barrier()
    pltpu.sync_copy(acc.at[pl.ds(s * ZR, ZR)], pout_h.at[c].at[pl.ds(s * ZR, ZR)])
    if with_deg:
        pltpu.sync_copy(dacc.at[pl.ds(s * ZR, ZR)], dout_h.at[c].at[pl.ds(s * ZR, ZR)])


def _make_sc_agg(with_deg, split_cols, DF, NBk, Bk, SL):
    mesh = plsc.VectorSubcoreMesh(core_axis_name="c", subcore_axis_name="s")
    out_type = [jax.ShapeDtypeStruct((NC, NPAD, DF), jnp.float32)]
    scratch = [
        pltpu.VMEM_SHARED((NPAD, DF), jnp.float32),
        pltpu.VMEM((NBk, Bk), jnp.int32),
        pltpu.VMEM((NBk, Bk), jnp.int32),
        pltpu.VMEM((SL, Bk, DF), jnp.float32),
        pltpu.SemaphoreType.DMA((2,)),
        pltpu.SemaphoreType.DMA((2,)),
    ]
    if with_deg:
        out_type.append(jax.ShapeDtypeStruct((NC, NPAD), jnp.float32))
        scratch += [
            pltpu.VMEM_SHARED((NPAD,), jnp.float32),
            pltpu.VMEM((Bk,), jnp.float32),
            pltpu.SemaphoreType.DMA((2,)),
        ]
    return pl.kernel(
        functools.partial(_sc_agg_body, with_deg, split_cols, NBk, Bk, SL),
        out_type=out_type,
        mesh=mesh,
        scratch_types=scratch,
        compiler_params=pltpu.CompilerParams(use_tc_tiling_on_sc=False),
    )


def _tc1_body(x_ref, p_ref, dg_ref, w1s_ref, w1n_ref, b1_ref,
              w2n_ref, w2s_ref, b2_ref, t_ref, s2_ref):
    psum = jnp.concatenate([p_ref[0], p_ref[1]], axis=1)
    deg = jnp.maximum(dg_ref[0], 1.0)
    n1 = psum / deg
    h = (jnp.dot(x_ref[...], w1s_ref[...], preferred_element_type=jnp.float32)
         + jnp.dot(n1, w1n_ref[...], preferred_element_type=jnp.float32)
         + b1_ref[...])
    h = jnp.maximum(h, 0.0)
    t = jnp.dot(h, w2n_ref[...], preferred_element_type=jnp.float32)
    t_ref[...] = jnp.concatenate(
        [t, jnp.zeros((RB, CP - C), jnp.float32)], axis=1)
    s2_ref[...] = (jnp.dot(h, w2s_ref[...], preferred_element_type=jnp.float32)
                   + b2_ref[...])


def _tc2_body(s2_ref, q_ref, dg_ref, o_ref):
    deg = jnp.maximum(dg_ref[0], 1.0)
    qsum = q_ref[0] + q_ref[1]
    z = s2_ref[...] + (qsum / deg)[:, :C]
    m = jnp.max(z, axis=-1, keepdims=True)
    zz = z - m
    lse = jnp.log(jnp.sum(jnp.exp(zz), axis=-1, keepdims=True))
    o_ref[...] = zz - lse


NB2, B2 = 50, 200
_sc_agg_deg = _make_sc_agg(True, True, D // 2, NB, B, 3)
_sc_agg_plain = _make_sc_agg(False, False, CP, NB2, B2, 2)

_tc1 = pl.pallas_call(
    _tc1_body,
    grid=(GRID,),
    in_specs=[
        pl.BlockSpec((RB, D), lambda i: (i, 0)),
        pl.BlockSpec((NC, RB, D // 2), lambda i: (0, i, 0)),
        pl.BlockSpec((NC, RB, 1), lambda i: (0, i, 0)),
        pl.BlockSpec((D, D), lambda i: (0, 0)),
        pl.BlockSpec((D, D), lambda i: (0, 0)),
        pl.BlockSpec((1, D), lambda i: (0, 0)),
        pl.BlockSpec((D, C), lambda i: (0, 0)),
        pl.BlockSpec((D, C), lambda i: (0, 0)),
        pl.BlockSpec((1, C), lambda i: (0, 0)),
    ],
    out_specs=[
        pl.BlockSpec((RB, CP), lambda i: (i, 0)),
        pl.BlockSpec((RB, C), lambda i: (i, 0)),
    ],
    out_shape=[
        jax.ShapeDtypeStruct((N, CP), jnp.float32),
        jax.ShapeDtypeStruct((N, C), jnp.float32),
    ],
)

_tc2 = pl.pallas_call(
    _tc2_body,
    grid=(GRID,),
    in_specs=[
        pl.BlockSpec((RB, C), lambda i: (i, 0)),
        pl.BlockSpec((NC, RB, CP), lambda i: (0, i, 0)),
        pl.BlockSpec((NC, RB, 1), lambda i: (0, i, 0)),
    ],
    out_specs=pl.BlockSpec((RB, C), lambda i: (i, 0)),
    out_shape=jax.ShapeDtypeStruct((N, C), jnp.float32),
)


def kernel(x, edge_index, W1_self, W1_neigh, b1, W2_self, W2_neigh, b2):
    src = edge_index[0]
    dst = edge_index[1]
    src_p = src.reshape(NS, NB, B)
    dst_p = dst.reshape(NS, NB, B)
    src_p2 = src.reshape(NC * NS, NB2, B2)
    dst_p2 = dst.reshape(NC * NS, NB2, B2)
    zr = jnp.zeros((NPAD, D // 2), jnp.float32)
    zr2 = jnp.zeros((NPAD, CP), jnp.float32)
    zd = jnp.zeros((NPAD,), jnp.float32)
    ones_b = jnp.ones((B,), jnp.float32)
    x_split = jnp.stack([x[:, :D // 2], x[:, D // 2:]])

    p1, dgp = _sc_agg_deg(x_split, src_p, dst_p, zr, zd, ones_b)
    dgp3 = dgp.reshape(NC, NPAD, 1)

    t, s2 = _tc1(x, p1, dgp3, W1_self, W1_neigh, b1.reshape(1, D),
                 W2_neigh, W2_self, b2.reshape(1, C))

    (q,) = _sc_agg_plain(t, src_p2, dst_p2, zr2)
    return _tc2(s2, q, dgp3)

# --- scband reference (transcript-rebuilt; emitter-appended) ---
"""Pipeline reference for scband-graph-sage-420906795017 (READ-ONLY COPY).

The authoritative reference and input builder live on the scoring server;
editing this copy changes nothing except your own understanding.
"""

import jax, jax.numpy as jnp
import numpy as np

N_NODES = 10000
N_EDGES = 320000
D_IN = 128
D_HID = 128
N_CLASSES = 40


def setup_inputs(seed: int = 0) -> dict:
    key = jax.random.key(seed)
    ks = jax.random.split(key, 9)
    x = jax.random.normal(ks[0], (N_NODES, D_IN), dtype=jnp.float32)
    edge_index = jax.random.randint(ks[1], (2, N_EDGES), 0, N_NODES, dtype=jnp.int32)
    # Layer 1 params (SAGEConv mean: fc_self + fc_neigh)
    W1_self = jax.random.normal(ks[2], (D_IN, D_HID), dtype=jnp.float32) * 0.05
    W1_neigh = jax.random.normal(ks[3], (D_IN, D_HID), dtype=jnp.float32) * 0.05
    b1 = jnp.zeros((D_HID,), dtype=jnp.float32)
    # Layer 2 params
    W2_self = jax.random.normal(ks[4], (D_HID, N_CLASSES), dtype=jnp.float32) * 0.05
    W2_neigh = jax.random.normal(ks[5], (D_HID, N_CLASSES), dtype=jnp.float32) * 0.05
    b2 = jnp.zeros((N_CLASSES,), dtype=jnp.float32)
    return {
        "x": x,
        "edge_index": edge_index,
        "W1_self": W1_self,
        "W1_neigh": W1_neigh,
        "b1": b1,
        "W2_self": W2_self,
        "W2_neigh": W2_neigh,
        "b2": b2,
    }


def _sage_conv(h, src, dst, W_self, W_neigh, b):
    # mean aggregation over incoming edges (dst receives from src)
    msgs = h[src]  # gather: [E, d]
    summed = jax.ops.segment_sum(msgs, dst, num_segments=N_NODES)
    deg = jax.ops.segment_sum(jnp.ones((msgs.shape[0], 1), dtype=h.dtype), dst, num_segments=N_NODES)
    h_neigh = summed / jnp.clip(deg, 1.0, None)
    return h @ W_self + h_neigh @ W_neigh + b


def reference(x, edge_index, W1_self, W1_neigh, b1, W2_self, W2_neigh, b2):
    src = edge_index[0]
    dst = edge_index[1]
    h = _sage_conv(x, src, dst, W1_self, W1_neigh, b1)
    h = jax.nn.relu(h)
    h = _sage_conv(h, src, dst, W2_self, W2_neigh, b2)
    return jax.nn.log_softmax(h, axis=-1)

if __name__ == "__main__":
    import jax
    _d = setup_inputs()
    print(jax.jit(kernel)(*tuple(_d.values())))

</pallas_src>

<mosaic_0001>
#map = affine_map<(d0, d1) -> (0, 0)>
#map1 = affine_map<(d0, d1) -> (0, 0, 0)>
module attributes {stable_mosaic.version = 14 : i64} {
  func.func @_sc_agg_body(%arg0: i32, %arg1: i32, %arg2: memref<10000x64xf32, #tpu.memory_space<hbm>>, %arg3: memref<32x50x200xi32, #tpu.memory_space<hbm>>, %arg4: memref<32x50x200xi32, #tpu.memory_space<hbm>>, %arg5: memref<10240x64xf32, #tpu.memory_space<hbm>>, %arg6: memref<2x10240x64xf32, #tpu.memory_space<hbm>>, %arg7: memref<10240x64xf32, #tpu.memory_space<vmem_shared>>, %arg8: memref<50x200xi32, #tpu.memory_space<vmem>>, %arg9: memref<50x200xi32, #tpu.memory_space<vmem>>, %arg10: memref<2x200x64xf32, #tpu.memory_space<vmem>>, %arg11: memref<2x!tpu.dma_semaphore, #tpu.memory_space<semaphore_mem>>, %arg12: memref<2x!tpu.dma_semaphore, #tpu.memory_space<semaphore_mem>>) attributes {dimension_semantics = [#tpu.dimension_semantics<core_parallel>, #tpu.dimension_semantics<subcore_parallel>], iteration_bounds = array<i64: 2, 16>, scalar_prefetch = 0 : i64, scratch_operands = 6 : i64, tpu.core_type = #tpu.core_type<sc_vector_subcore>, window_params = [{transform_indices = #map}, {transform_indices = #map1}, {transform_indices = #map1}, {transform_indices = #map}, {transform_indices = #map1}]} {
    %mul3A = arith.constant 2 : i32
    %mul3A_0 = arith.muli %arg1, %mul3A : i32
    %add3A = arith.addi %mul3A_0, %arg0 : i32
    %mul3A_1 = arith.constant 640 : i32
    %mul3A_2 = arith.muli %arg1, %mul3A_1 : i32
    %mul3A_3 = arith.constant 640 : i32
    %mul3A_4 = arith.muli %arg1, %mul3A_3 : i32
    "tpu.region"() ({
      %run_scoped3A = tpu.sem_alloc : memref<!tpu.dma_semaphore, #tpu.memory_space<semaphore_mem>>
      %dma_start3A_43 = arith.constant 0 : i32
      %dma_start3A_44 = tpu.memref_slice %arg7[%mul3A_4, %dma_start3A_43] : memref<10240x64xf32, #tpu.memory_space<vmem_shared>> -> memref<640x64xf32, #tpu.memory_space<vmem_shared>>
      %dma_start3A_45 = arith.constant 0 : i32
      %dma_start3A_46 = tpu.memref_slice %arg5[%mul3A_2, %dma_start3A_45] : memref<10240x64xf32, #tpu.memory_space<hbm>> -> memref<640x64xf32, #tpu.memory_space<hbm>>
      tpu.enqueue_dma source(%dma_start3A_46 : memref<640x64xf32, #tpu.memory_space<hbm>>) target(%dma_start3A_44 : memref<640x64xf32, #tpu.memory_space<vmem_shared>>) target_semaphore(%run_scoped3A : memref<!tpu.dma_semaphore, #tpu.memory_space<semaphore_mem>>)
      %dma_wait3A_47 = arith.constant 0 : i32
      %dma_wait3A_48 = tpu.memref_slice %arg7[%mul3A_4, %dma_wait3A_47] : memref<10240x64xf32, #tpu.memory_space<vmem_shared>> -> memref<640x64xf32, #tpu.memory_space<vmem_shared>>
      %dma_wait3A_49 = arith.constant 0 : i32
      %dma_wait3A_50 = tpu.memref_slice %arg5[%mul3A_2, %dma_wait3A_49] : memref<10240x64xf32, #tpu.memory_space<hbm>> -> memref<640x64xf32, #tpu.memory_space<hbm>>
      tpu.wait_dma2 semaphore(%run_scoped3A : memref<!tpu.dma_semaphore, #tpu.memory_space<semaphore_mem>>) src(%dma_wait3A_50 : memref<640x64xf32, #tpu.memory_space<hbm>>) dst(%dma_wait3A_48 : memref<640x64xf32, #tpu.memory_space<vmem_shared>>)
      tpu.yield
    }) : () -> ()
    "tpu.region"() ({
      %run_scoped3A = tpu.sem_alloc : memref<!tpu.dma_semaphore, #tpu.memory_space<semaphore_mem>>
      %dma_start3A_43 = arith.constant 0 : i32
      %dma_start3A_44 = arith.constant 0 : i32
      %dma_start3A_45 = tpu.memref_slice %arg3[%add3A, %dma_start3A_43, %dma_start3A_44] : memref<32x50x200xi32, #tpu.memory_space<hbm>> -> memref<1x50x200xi32, #tpu.memory_space<hbm>>
      %dma_start3A_46 = tpu.memref_squeeze %dma_start3A_45 : memref<1x50x200xi32, #tpu.memory_space<hbm>> -> memref<50x200xi32, #tpu.memory_space<hbm>>
      %dma_start3A_47 = arith.constant 0 : i32
      %dma_start3A_48 = arith.constant 0 : i32
      %dma_start3A_49 = tpu.memref_slice %arg3[%add3A, %dma_start3A_47, %dma_start3A_48] : memref<32x50x200xi32, #tpu.memory_space<hbm>> -> memref<1x50x200xi32, #tpu.memory_space<hbm>>
      %dma_start3A_50 = tpu.memref_squeeze %dma_start3A_49 : memref<1x50x200xi32, #tpu.memory_space<hbm>> -> memref<50x200xi32, #tpu.memory_space<hbm>>
      tpu.enqueue_dma source(%dma_start3A_50 : memref<50x200xi32, #tpu.memory_space<hbm>>) target(%arg8 : memref<50x200xi32, #tpu.memory_space<vmem>>) target_semaphore(%run_scoped3A : memref<!tpu.dma_semaphore, #tpu.memory_space<semaphore_mem>>)
      %dma_wait3A_51 = arith.constant 0 : i32
      %dma_wait3A_52 = arith.constant 0 : i32
      %dma_wait3A_53 = tpu.memref_slice %arg3[%add3A, %dma_wait3A_51, %dma_wait3A_52] : memref<32x50x200xi32, #tpu.memory_space<hbm>> -> memref<1x50x200xi32, #tpu.memory_space<hbm>>
      %dma_wait3A_54 = tpu.memref_squeeze %dma_wait3A_53 : memref<1x50x200xi32, #tpu.memory_space<hbm>> -> memref<50x200xi32, #tpu.memory_space<hbm>>
      %dma_wait3A_55 = arith.constant 0 : i32
      %dma_wait3A_56 = arith.constant 0 : i32
      %dma_wait3A_57 = tpu.memref_slice %arg3[%add3A, %dma_wait3A_55, %dma_wait3A_56] : memref<32x50x200xi32, #tpu.memory_space<hbm>> -> memref<1x50x200xi32, #tpu.memory_space<hbm>>
      %dma_wait3A_58 = tpu.memref_squeeze %dma_wait3A_57 : memref<1x50x200xi32, #tpu.memory_space<hbm>> -> memref<50x200xi32, #tpu.memory_space<hbm>>
      tpu.wait_dma2 semaphore(%run_scoped3A : memref<!tpu.dma_semaphore, #tpu.memory_space<semaphore_mem>>) src(%dma_wait3A_58 : memref<50x200xi32, #tpu.memory_space<hbm>>) dst(%arg8 : memref<50x200xi32, #tpu.memory_space<vmem>>)
      tpu.yield
    }) : () -> ()
    "tpu.region"() ({
      %run_scoped3A = tpu.sem_alloc : memref<!tpu.dma_semaphore, #tpu.memory_space<semaphore_mem>>
      %dma_start3A_43 = arith.constant 0 : i32
      %dma_start3A_44 = arith.constant 0 : i32
      %dma_start3A_45 = tpu.memref_slice %arg4[%add3A, %dma_start3A_43, %dma_start3A_44] : memref<32x50x200xi32, #tpu.memory_space<hbm>> -> memref<1x50x200xi32, #tpu.memory_space<hbm>>
      %dma_start3A_46 = tpu.memref_squeeze %dma_start3A_45 : memref<1x50x200xi32, #tpu.memory_space<hbm>> -> memref<50x200xi32, #tpu.memory_space<hbm>>
      %dma_start3A_47 = arith.constant 0 : i32
      %dma_start3A_48 = arith.constant 0 : i32
      %dma_start3A_49 = tpu.memref_slice %arg4[%add3A, %dma_start3A_47, %dma_start3A_48] : memref<32x50x200xi32, #tpu.memory_space<hbm>> -> memref<1x50x200xi32, #tpu.memory_space<hbm>>
      %dma_start3A_50 = tpu.memref_squeeze %dma_start3A_49 : memref<1x50x200xi32, #tpu.memory_space<hbm>> -> memref<50x200xi32, #tpu.memory_space<hbm>>
      tpu.enqueue_dma source(%dma_start3A_50 : memref<50x200xi32, #tpu.memory_space<hbm>>) target(%arg9 : memref<50x200xi32, #tpu.memory_space<vmem>>) target_semaphore(%run_scoped3A : memref<!tpu.dma_semaphore, #tpu.memory_space<semaphore_mem>>)
      %dma_wait3A_51 = arith.constant 0 : i32
      %dma_wait3A_52 = arith.constant 0 : i32
      %dma_wait3A_53 = tpu.memref_slice %arg4[%add3A, %dma_wait3A_51, %dma_wait3A_52] : memref<32x50x200xi32, #tpu.memory_space<hbm>> -> memref<1x50x200xi32, #tpu.memory_space<hbm>>
      %dma_wait3A_54 = tpu.memref_squeeze %dma_wait3A_53 : memref<1x50x200xi32, #tpu.memory_space<hbm>> -> memref<50x200xi32, #tpu.memory_space<hbm>>
      %dma_wait3A_55 = arith.constant 0 : i32
      %dma_wait3A_56 = arith.constant 0 : i32
      %dma_wait3A_57 = tpu.memref_slice %arg4[%add3A, %dma_wait3A_55, %dma_wait3A_56] : memref<32x50x200xi32, #tpu.memory_space<hbm>> -> memref<1x50x200xi32, #tpu.memory_space<hbm>>
      %dma_wait3A_58 = tpu.memref_squeeze %dma_wait3A_57 : memref<1x50x200xi32, #tpu.memory_space<hbm>> -> memref<50x200xi32, #tpu.memory_space<hbm>>
      tpu.wait_dma2 semaphore(%run_scoped3A : memref<!tpu.dma_semaphore, #tpu.memory_space<semaphore_mem>>) src(%dma_wait3A_58 : memref<50x200xi32, #tpu.memory_space<hbm>>) dst(%arg9 : memref<50x200xi32, #tpu.memory_space<vmem>>)
      tpu.yield
    }) : () -> ()
    %barrier3A = arith.constant 0 : index
    tpu.barrier barrier_id(%barrier3A)
    %dma_start3A = arith.constant 0 : i32
    %dma_start3A_5 = arith.constant 0 : i32
    %dma_start3A_6 = arith.constant 0 : i32
    %dma_start3A_7 = arith.constant 0 : i32
    %dma_start3A_8 = arith.constant 0 : i32
    %dma_start3A_9 = tpu.memref_slice %arg10[%dma_start3A_5, %dma_start3A_7, %dma_start3A_8] : memref<2x200x64xf32, #tpu.memory_space<vmem>> -> memref<1x200x64xf32, #tpu.memory_space<vmem>>
    %dma_start3A_10 = tpu.memref_squeeze %dma_start3A_9 : memref<1x200x64xf32, #tpu.memory_space<vmem>> -> memref<200x64xf32, #tpu.memory_space<vmem>>
    %dma_start3A_11 = arith.constant 0 : i32
    %dma_start3A_12 = tpu.memref_slice %arg8[%dma_start3A, %dma_start3A_11] : memref<50x200xi32, #tpu.memory_space<vmem>> -> memref<1x200xi32, #tpu.memory_space<vmem>>
    %dma_start3A_13 = tpu.memref_squeeze %dma_start3A_12 : memref<1x200xi32, #tpu.memory_space<vmem>> -> memref<200xi32, #tpu.memory_space<vmem>>
    %dma_start3A_14 = arith.constant 0 : i32
    %dma_start3A_15 = arith.constant 0 : i32
    %dma_start3A_16 = tpu.memref_slice %arg2[%dma_start3A_14, %dma_start3A_15] : memref<10000x64xf32, #tpu.memory_space<hbm>> -> memref<10000x64xf32, #tpu.memory_space<hbm>>
    %dma_start3A_17 = tpu.memref_slice %arg11[%dma_start3A_6] : memref<2x!tpu.dma_semaphore, #tpu.memory_space<semaphore_mem>> -> memref<1x!tpu.dma_semaphore, #tpu.memory_space<semaphore_mem>>
    %dma_start3A_18 = tpu.memref_squeeze %dma_start3A_17 : memref<1x!tpu.dma_semaphore, #tpu.memory_space<semaphore_mem>> -> memref<!tpu.dma_semaphore, #tpu.memory_space<semaphore_mem>>
    tpu.enqueue_indirect_dma source(%dma_start3A_16 : memref<10000x64xf32, #tpu.memory_space<hbm>>) target(%dma_start3A_10 : memref<200x64xf32, #tpu.memory_space<vmem>>) offsets(%dma_start3A_13 : memref<200xi32, #tpu.memory_space<vmem>>) semaphore(%dma_start3A_18 : memref<!tpu.dma_semaphore, #tpu.memory_space<semaphore_mem>>)
    %scan3A = arith.constant 0 : i32
    %scan3A_19 = arith.constant 0 : i32
    %scan3A_20 = arith.constant 25 : i32
    %scan3A_21 = arith.addi %scan3A_19, %scan3A_20 : i32
    %scan3A_22 = arith.constant 1 : i32
    scf.for %scan3A_43 = %scan3A_19 to %scan3A_21 step %scan3A_22  : i32 {
      %mul3A_44 = arith.constant 2 : i32
      %mul3A_45 = arith.muli %mul3A_44, %scan3A_43 : i32
      %add3A_46 = arith.constant 0 : i32
      %add3A_47 = arith.addi %mul3A_45, %add3A_46 : i32
      %jit3A = arith.constant 2 : i32
      %eq3A = arith.constant 0 : i32
      %eq3A_48 = arith.cmpi eq, %jit3A, %eq3A : i32
      %jit3A_49 = arith.constant 1 : i32
      %select_n3A = arith.select %eq3A_48, %jit3A_49, %jit3A : i32
      %rem3A = arith.remsi %add3A_47, %select_n3A : i32
      %ne3A = arith.constant 0 : i32
      %ne3A_50 = arith.cmpi ne, %rem3A, %ne3A : i32
      %lt3A = arith.constant 0 : i32
      %lt3A_51 = arith.cmpi slt, %rem3A, %lt3A : i32
      %lt3A_52 = arith.constant 0 : i32
      %lt3A_53 = arith.cmpi slt, %select_n3A, %lt3A_52 : i32
      %ne3A_54 = arith.xori %lt3A_51, %lt3A_53 : i1
      %and3A = arith.andi %ne3A_54, %ne3A_50 : i1
      %add3A_55 = arith.addi %rem3A, %select_n3A : i32
      %select_n3A_56 = arith.select %and3A, %add3A_55, %rem3A : i32
      %dma_wait3A_57 = arith.constant 0 : i32
      %dma_wait3A_58 = arith.constant 0 : i32
      %dma_wait3A_59 = arith.constant 0 : i32
      %dma_wait3A_60 = tpu.memref_slice %arg10[%select_n3A_56, %dma_wait3A_58, %dma_wait3A_59] : memref<2x200x64xf32, #tpu.memory_space<vmem>> -> memref<1x200x64xf32, #tpu.memory_space<vmem>>
      %dma_wait3A_61 = tpu.memref_squeeze %dma_wait3A_60 : memref<1x200x64xf32, #tpu.memory_space<vmem>> -> memref<200x64xf32, #tpu.memory_space<vmem>>
      %dma_wait3A_62 = arith.constant 0 : i32
      %dma_wait3A_63 = tpu.memref_slice %arg8[%add3A_47, %dma_wait3A_62] : memref<50x200xi32, #tpu.memory_space<vmem>> -> memref<1x200xi32, #tpu.memory_space<vmem>>
      %dma_wait3A_64 = tpu.memref_squeeze %dma_wait3A_63 : memref<1x200xi32, #tpu.memory_space<vmem>> -> memref<200xi32, #tpu.memory_space<vmem>>
      %dma_wait3A_65 = arith.constant 0 : i32
      %dma_wait3A_66 = arith.constant 0 : i32
      %dma_wait3A_67 = tpu.memref_slice %arg2[%dma_wait3A_65, %dma_wait3A_66] : memref<10000x64xf32, #tpu.memory_space<hbm>> -> memref<10000x64xf32, #tpu.memory_space<hbm>>
      %dma_wait3A_68 = tpu.memref_slice %arg11[%dma_wait3A_57] : memref<2x!tpu.dma_semaphore, #tpu.memory_space<semaphore_mem>> -> memref<1x!tpu.dma_semaphore, #tpu.memory_space<semaphore_mem>>
      %dma_wait3A_69 = tpu.memref_squeeze %dma_wait3A_68 : memref<1x!tpu.dma_semaphore, #tpu.memory_space<semaphore_mem>> -> memref<!tpu.dma_semaphore, #tpu.memory_space<semaphore_mem>>
      tpu.wait_indirect_dma semaphore(%dma_wait3A_69 : memref<!tpu.dma_semaphore, #tpu.memory_space<semaphore_mem>>) src(%dma_wait3A_67 : memref<10000x64xf32, #tpu.memory_space<hbm>>) dst(%dma_wait3A_61 : memref<200x64xf32, #tpu.memory_space<vmem>>)
      %sub3A = arith.constant 1 : i32
      %sub3A_70 = arith.subi %add3A_47, %sub3A : i32
      %ge3A = arith.constant 1 : i32
      %ge3A_71 = arith.cmpi sge, %add3A_47, %ge3A : i32
      %convert_element_type3A = arith.extui %ge3A_71 : i1 to i32
      %cond3A = arith.constant 0 : i32
      %cond3A_72 = arith.cmpi ne, %convert_element_type3A, %cond3A : i32
      scf.if %cond3A_72 {
        %jit3A_185 = arith.constant 2 : i32
        %eq3A_186 = arith.constant 0 : i32
        %eq3A_187 = arith.cmpi eq, %jit3A_185, %eq3A_186 : i32
        %jit3A_188 = arith.constant 1 : i32
        %select_n3A_189 = arith.select %eq3A_187, %jit3A_188, %jit3A_185 : i32
        %rem3A_190 = arith.remsi %sub3A_70, %select_n3A_189 : i32
        %ne3A_191 = arith.constant 0 : i32
        %ne3A_192 = arith.cmpi ne, %rem3A_190, %ne3A_191 : i32
        %lt3A_193 = arith.constant 0 : i32
        %lt3A_194 = arith.cmpi slt, %rem3A_190, %lt3A_193 : i32
        %lt3A_195 = arith.constant 0 : i32
        %lt3A_196 = arith.cmpi slt, %select_n3A_189, %lt3A_195 : i32
        %ne3A_197 = arith.xori %lt3A_194, %lt3A_196 : i1
        %and3A_198 = arith.andi %ne3A_197, %ne3A_192 : i1
        %add3A_199 = arith.addi %rem3A_190, %select_n3A_189 : i32
        %select_n3A_200 = arith.select %and3A_198, %add3A_199, %rem3A_190 : i32
        %dma_wait3A_201 = arith.constant 1 : i32
        %dma_wait3A_202 = arith.constant 0 : i32
        %dma_wait3A_203 = arith.constant 0 : i32
        %dma_wait3A_204 = tpu.memref_slice %arg10[%select_n3A_200, %dma_wait3A_202, %dma_wait3A_203] : memref<2x200x64xf32, #tpu.memory_space<vmem>> -> memref<1x200x64xf32, #tpu.memory_space<vmem>>
        %dma_wait3A_205 = tpu.memref_squeeze %dma_wait3A_204 : memref<1x200x64xf32, #tpu.memory_space<vmem>> -> memref<200x64xf32, #tpu.memory_space<vmem>>
        %dma_wait3A_206 = arith.constant 0 : i32
        %dma_wait3A_207 = tpu.memref_slice %arg9[%sub3A_70, %dma_wait3A_206] : memref<50x200xi32, #tpu.memory_space<vmem>> -> memref<1x200xi32, #tpu.memory_space<vmem>>
        %dma_wait3A_208 = tpu.memref_squeeze %dma_wait3A_207 : memref<1x200xi32, #tpu.memory_space<vmem>> -> memref<200xi32, #tpu.memory_space<vmem>>
        %dma_wait3A_209 = arith.constant 0 : i32
        %dma_wait3A_210 = arith.constant 0 : i32
        %dma_wait3A_211 = tpu.memref_slice %arg7[%dma_wait3A_209, %dma_wait3A_210] : memref<10240x64xf32, #tpu.memory_space<vmem_shared>> -> memref<10240x64xf32, #tpu.memory_space<vmem_shared>>
        %dma_wait3A_212 = tpu.memref_slice %arg12[%dma_wait3A_201] : memref<2x!tpu.dma_semaphore, #tpu.memory_space<semaphore_mem>> -> memref<1x!tpu.dma_semaphore, #tpu.memory_space<semaphore_mem>>
        %dma_wait3A_213 = tpu.memref_squeeze %dma_wait3A_212 : memref<1x!tpu.dma_semaphore, #tpu.memory_space<semaphore_mem>> -> memref<!tpu.dma_semaphore, #tpu.memory_space<semaphore_mem>>
        tpu.wait_indirect_dma semaphore(%dma_wait3A_213 : memref<!tpu.dma_semaphore, #tpu.memory_space<semaphore_mem>>) src(%dma_wait3A_205 : memref<200x64xf32, #tpu.memory_space<vmem>>) dst(%dma_wait3A_211 : memref<10240x64xf32, #tpu.memory_space<vmem_shared>>)
      } else {
      }
      %jit3A_73 = arith.constant 2 : i32
      %eq3A_74 = arith.constant 0 : i32
      %eq3A_75 = arith.cmpi eq, %jit3A_73, %eq3A_74 : i32
      %jit3A_76 = arith.constant 1 : i32
      %select_n3A_77 = arith.select %eq3A_75, %jit3A_76, %jit3A_73 : i32
      %rem3A_78 = arith.remsi %add3A_47, %select_n3A_77 : i32
      %ne3A_79 = arith.constant 0 : i32
      %ne3A_80 = arith.cmpi ne, %rem3A_78, %ne3A_79 : i32
      %lt3A_81 = arith.constant 0 : i32
      %lt3A_82 = arith.cmpi slt, %rem3A_78, %lt3A_81 : i32
      %lt3A_83 = arith.constant 0 : i32
      %lt3A_84 = arith.cmpi slt, %select_n3A_77, %lt3A_83 : i32
      %ne3A_85 = arith.xori %lt3A_82, %lt3A_84 : i1
      %and3A_86 = arith.andi %ne3A_85, %ne3A_80 : i1
      %add3A_87 = arith.addi %rem3A_78, %select_n3A_77 : i32
      %select_n3A_88 = arith.select %and3A_86, %add3A_87, %rem3A_78 : i32
      %dma_start3A_89 = arith.constant 0 : i32
      %dma_start3A_90 = arith.constant 0 : i32
      %dma_start3A_91 = arith.constant 0 : i32
      %dma_start3A_92 = tpu.memref_slice %arg10[%select_n3A_88, %dma_start3A_90, %dma_start3A_91] : memref<2x200x64xf32, #tpu.memory_space<vmem>> -> memref<1x200x64xf32, #tpu.memory_space<vmem>>
      %dma_start3A_93 = tpu.memref_squeeze %dma_start3A_92 : memref<1x200x64xf32, #tpu.memory_space<vmem>> -> memref<200x64xf32, #tpu.memory_space<vmem>>
      %dma_start3A_94 = arith.constant 0 : i32
      %dma_start3A_95 = tpu.memref_slice %arg9[%add3A_47, %dma_start3A_94] : memref<50x200xi32, #tpu.memory_space<vmem>> -> memref<1x200xi32, #tpu.memory_space<vmem>>
      %dma_start3A_96 = tpu.memref_squeeze %dma_start3A_95 : memref<1x200xi32, #tpu.memory_space<vmem>> -> memref<200xi32, #tpu.memory_space<vmem>>
      %dma_start3A_97 = arith.constant 0 : i32
      %dma_start3A_98 = arith.constant 0 : i32
      %dma_start3A_99 = tpu.memref_slice %arg7[%dma_start3A_97, %dma_start3A_98] : memref<10240x64xf32, #tpu.memory_space<vmem_shared>> -> memref<10240x64xf32, #tpu.memory_space<vmem_shared>>
      %dma_start3A_100 = tpu.memref_slice %arg12[%dma_start3A_89] : memref<2x!tpu.dma_semaphore, #tpu.memory_space<semaphore_mem>> -> memref<1x!tpu.dma_semaphore, #tpu.memory_space<semaphore_mem>>
      %dma_start3A_101 = tpu.memref_squeeze %dma_start3A_100 : memref<1x!tpu.dma_semaphore, #tpu.memory_space<semaphore_mem>> -> memref<!tpu.dma_semaphore, #tpu.memory_space<semaphore_mem>>
      tpu.enqueue_indirect_dma source(%dma_start3A_93 : memref<200x64xf32, #tpu.memory_space<vmem>>) target(%dma_start3A_99 : memref<10240x64xf32, #tpu.memory_space<vmem_shared>>) offsets(%dma_start3A_96 : memref<200xi32, #tpu.memory_space<vmem>>) semaphore(%dma_start3A_101 : memref<!tpu.dma_semaphore, #tpu.memory_space<semaphore_mem>>) {add = true}
      %add3A_102 = arith.constant 1 : i32
      %add3A_103 = arith.addi %add3A_47, %add3A_102 : i32
      %lt3A_104 = arith.constant 50 : i32
      %lt3A_105 = arith.cmpi slt, %add3A_103, %lt3A_104 : i32
      %convert_element_type3A_106 = arith.extui %lt3A_105 : i1 to i32
      %cond3A_107 = arith.constant 0 : i32
      %cond3A_108 = arith.cmpi ne, %convert_element_type3A_106, %cond3A_107 : i32
      scf.if %cond3A_108 {
        %add3A_185 = arith.constant 1 : i32
        %add3A_186 = arith.addi %add3A_47, %add3A_185 : i32
        %jit3A_187 = arith.constant 2 : i32
        %eq3A_188 = arith.constant 0 : i32
        %eq3A_189 = arith.cmpi eq, %jit3A_187, %eq3A_188 : i32
        %jit3A_190 = arith.constant 1 : i32
        %select_n3A_191 = arith.select %eq3A_189, %jit3A_190, %jit3A_187 : i32
        %rem3A_192 = arith.remsi %add3A_186, %select_n3A_191 : i32
        %ne3A_193 = arith.constant 0 : i32
        %ne3A_194 = arith.cmpi ne, %rem3A_192, %ne3A_193 : i32
        %lt3A_195 = arith.constant 0 : i32
        %lt3A_196 = arith.cmpi slt, %rem3A_192, %lt3A_195 : i32
        %lt3A_197 = arith.constant 0 : i32
        %lt3A_198 = arith.cmpi slt, %select_n3A_191, %lt3A_197 : i32
        %ne3A_199 = arith.xori %lt3A_196, %lt3A_198 : i1
        %and3A_200 = arith.andi %ne3A_199, %ne3A_194 : i1
        %add3A_201 = arith.addi %rem3A_192, %select_n3A_191 : i32
        %select_n3A_202 = arith.select %and3A_200, %add3A_201, %rem3A_192 : i32
        %dma_start3A_203 = arith.constant 1 : i32
        %dma_start3A_204 = arith.constant 0 : i32
        %dma_start3A_205 = arith.constant 0 : i32
        %dma_start3A_206 = tpu.memref_slice %arg10[%select_n3A_202, %dma_start3A_204, %dma_start3A_205] : memref<2x200x64xf32, #tpu.memory_space<vmem>> -> memref<1x200x64xf32, #tpu.memory_space<vmem>>
        %dma_start3A_207 = tpu.memref_squeeze %dma_start3A_206 : memref<1x200x64xf32, #tpu.memory_space<vmem>> -> memref<200x64xf32, #tpu.memory_space<vmem>>
        %dma_start3A_208 = arith.constant 0 : i32
        %dma_start3A_209 = tpu.memref_slice %arg8[%add3A_186, %dma_start3A_208] : memref<50x200xi32, #tpu.memory_space<vmem>> -> memref<1x200xi32, #tpu.memory_space<vmem>>
        %dma_start3A_210 = tpu.memref_squeeze %dma_start3A_209 : memref<1x200xi32, #tpu.memory_space<vmem>> -> memref<200xi32, #tpu.memory_space<vmem>>
        %dma_start3A_211 = arith.constant 0 : i32
        %dma_start3A_212 = arith.constant 0 : i32
        %dma_start3A_213 = tpu.memref_slice %arg2[%dma_start3A_211, %dma_start3A_212] : memref<10000x64xf32, #tpu.memory_space<hbm>> -> memref<10000x64xf32, #tpu.memory_space<hbm>>
        %dma_start3A_214 = tpu.memref_slice %arg11[%dma_start3A_203] : memref<2x!tpu.dma_semaphore, #tpu.memory_space<semaphore_mem>> -> memref<1x!tpu.dma_semaphore, #tpu.memory_space<semaphore_mem>>
        %dma_start3A_215 = tpu.memref_squeeze %dma_start3A_214 : memref<1x!tpu.dma_semaphore, #tpu.memory_space<semaphore_mem>> -> memref<!tpu.dma_semaphore, #tpu.memory_space<semaphore_mem>>
        tpu.enqueue_indirect_dma source(%dma_start3A_213 : memref<10000x64xf32, #tpu.memory_space<hbm>>) target(%dma_start3A_207 : memref<200x64xf32, #tpu.memory_space<vmem>>) offsets(%dma_start3A_210 : memref<200xi32, #tpu.memory_space<vmem>>) semaphore(%dma_start3A_215 : memref<!tpu.dma_semaphore, #tpu.memory_space<semaphore_mem>>)
      } else {
      }
      %mul3A_109 = arith.constant 2 : i32
      %mul3A_110 = arith.muli %mul3A_109, %scan3A_43 : i32
      %add3A_111 = arith.constant 1 : i32
      %add3A_112 = arith.addi %mul3A_110, %add3A_111 : i32
      %jit3A_113 = arith.constant 2 : i32
      %eq3A_114 = arith.constant 0 : i32
      %eq3A_115 = arith.cmpi eq, %jit3A_113, %eq3A_114 : i32
      %jit3A_116 = arith.constant 1 : i32
      %select_n3A_117 = arith.select %eq3A_115, %jit3A_116, %jit3A_113 : i32
      %rem3A_118 = arith.remsi %add3A_112, %select_n3A_117 : i32
      %ne3A_119 = arith.constant 0 : i32
      %ne3A_120 = arith.cmpi ne, %rem3A_118, %ne3A_119 : i32
      %lt3A_121 = arith.constant 0 : i32
      %lt3A_122 = arith.cmpi slt, %rem3A_118, %lt3A_121 : i32
      %lt3A_123 = arith.constant 0 : i32
      %lt3A_124 = arith.cmpi slt, %select_n3A_117, %lt3A_123 : i32
      %ne3A_125 = arith.xori %lt3A_122, %lt3A_124 : i1
      %and3A_126 = arith.andi %ne3A_125, %ne3A_120 : i1
      %add3A_127 = arith.addi %rem3A_118, %select_n3A_117 : i32
      %select_n3A_128 = arith.select %and3A_126, %add3A_127, %rem3A_118 : i32
      %dma_wait3A_129 = arith.constant 1 : i32
      %dma_wait3A_130 = arith.constant 0 : i32
      %dma_wait3A_131 = arith.constant 0 : i32
      %dma_wait3A_132 = tpu.memref_slice %arg10[%select_n3A_128, %dma_wait3A_130, %dma_wait3A_131] : memref<2x200x64xf32, #tpu.memory_space<vmem>> -> memref<1x200x64xf32, #tpu.memory_space<vmem>>
      %dma_wait3A_133 = tpu.memref_squeeze %dma_wait3A_132 : memref<1x200x64xf32, #tpu.memory_space<vmem>> -> memref<200x64xf32, #tpu.memory_space<vmem>>
      %dma_wait3A_134 = arith.constant 0 : i32
      %dma_wait3A_135 = tpu.memref_slice %arg8[%add3A_112, %dma_wait3A_134] : memref<50x200xi32, #tpu.memory_space<vmem>> -> memref<1x200xi32, #tpu.memory_space<vmem>>
      %dma_wait3A_136 = tpu.memref_squeeze %dma_wait3A_135 : memref<1x200xi32, #tpu.memory_space<vmem>> -> memref<200xi32, #tpu.memory_space<vmem>>
      %dma_wait3A_137 = arith.constant 0 : i32
      %dma_wait3A_138 = arith.constant 0 : i32
      %dma_wait3A_139 = tpu.memref_slice %arg2[%dma_wait3A_137, %dma_wait3A_138] : memref<10000x64xf32, #tpu.memory_space<hbm>> -> memref<10000x64xf32, #tpu.memory_space<hbm>>
      %dma_wait3A_140 = tpu.memref_slice %arg11[%dma_wait3A_129] : memref<2x!tpu.dma_semaphore, #tpu.memory_space<semaphore_mem>> -> memref<1x!tpu.dma_semaphore, #tpu.memory_space<semaphore_mem>>
      %dma_wait3A_141 = tpu.memref_squeeze %dma_wait3A_140 : memref<1x!tpu.dma_semaphore, #tpu.memory_space<semaphore_mem>> -> memref<!tpu.dma_semaphore, #tpu.memory_space<semaphore_mem>>
      tpu.wait_indirect_dma semaphore(%dma_wait3A_141 : memref<!tpu.dma_semaphore, #tpu.memory_space<semaphore_mem>>) src(%dma_wait3A_139 : memref<10000x64xf32, #tpu.memory_space<hbm>>) dst(%dma_wait3A_133 : memref<200x64xf32, #tpu.memory_space<vmem>>)
      %sub3A_142 = arith.constant 1 : i32
      %sub3A_143 = arith.subi %add3A_112, %sub3A_142 : i32
      %ge3A_144 = arith.constant 1 : i32
      %ge3A_145 = arith.cmpi sge, %add3A_112, %ge3A_144 : i32
      %convert_element_type3A_146 = arith.extui %ge3A_145 : i1 to i32
      %cond3A_147 = arith.constant 0 : i32
      %cond3A_148 = arith.cmpi ne, %convert_element_type3A_146, %cond3A_147 : i32
      scf.if %cond3A_148 {
        %jit3A_185 = arith.constant 2 : i32
        %eq3A_186 = arith.constant 0 : i32
        %eq3A_187 = arith.cmpi eq, %jit3A_185, %eq3A_186 : i32
        %jit3A_188 = arith.constant 1 : i32
        %select_n3A_189 = arith.select %eq3A_187, %jit3A_188, %jit3A_185 : i32
        %rem3A_190 = arith.remsi %sub3A_143, %select_n3A_189 : i32
        %ne3A_191 = arith.constant 0 : i32
        %ne3A_192 = arith.cmpi ne, %rem3A_190, %ne3A_191 : i32
        %lt3A_193 = arith.constant 0 : i32
        %lt3A_194 = arith.cmpi slt, %rem3A_190, %lt3A_193 : i32
        %lt3A_195 = arith.constant 0 : i32
        %lt3A_196 = arith.cmpi slt, %select_n3A_189, %lt3A_195 : i32
        %ne3A_197 = arith.xori %lt3A_194, %lt3A_196 : i1
        %and3A_198 = arith.andi %ne3A_197, %ne3A_192 : i1
        %add3A_199 = arith.addi %rem3A_190, %select_n3A_189 : i32
        %select_n3A_200 = arith.select %and3A_198, %add3A_199, %rem3A_190 : i32
        %dma_wait3A_201 = arith.constant 0 : i32
        %dma_wait3A_202 = arith.constant 0 : i32
        %dma_wait3A_203 = arith.constant 0 : i32
        %dma_wait3A_204 = tpu.memref_slice %arg10[%select_n3A_200, %dma_wait3A_202, %dma_wait3A_203] : memref<2x200x64xf32, #tpu.memory_space<vmem>> -> memref<1x200x64xf32, #tpu.memory_space<vmem>>
        %dma_wait3A_205 = tpu.memref_squeeze %dma_wait3A_204 : memref<1x200x64xf32, #tpu.memory_space<vmem>> -> memref<200x64xf32, #tpu.memory_space<vmem>>
        %dma_wait3A_206 = arith.constant 0 : i32
        %dma_wait3A_207 = tpu.memref_slice %arg9[%sub3A_143, %dma_wait3A_206] : memref<50x200xi32, #tpu.memory_space<vmem>> -> memref<1x200xi32, #tpu.memory_space<vmem>>
        %dma_wait3A_208 = tpu.memref_squeeze %dma_wait3A_207 : memref<1x200xi32, #tpu.memory_space<vmem>> -> memref<200xi32, #tpu.memory_space<vmem>>
        %dma_wait3A_209 = arith.constant 0 : i32
        %dma_wait3A_210 = arith.constant 0 : i32
        %dma_wait3A_211 = tpu.memref_slice %arg7[%dma_wait3A_209, %dma_wait3A_210] : memref<10240x64xf32, #tpu.memory_space<vmem_shared>> -> memref<10240x64xf32, #tpu.memory_space<vmem_shared>>
        %dma_wait3A_212 = tpu.memref_slice %arg12[%dma_wait3A_201] : memref<2x!tpu.dma_semaphore, #tpu.memory_space<semaphore_mem>> -> memref<1x!tpu.dma_semaphore, #tpu.memory_space<semaphore_mem>>
        %dma_wait3A_213 = tpu.memref_squeeze %dma_wait3A_212 : memref<1x!tpu.dma_semaphore, #tpu.memory_space<semaphore_mem>> -> memref<!tpu.dma_semaphore, #tpu.memory_space<semaphore_mem>>
        tpu.wait_indirect_dma semaphore(%dma_wait3A_213 : memref<!tpu.dma_semaphore, #tpu.memory_space<semaphore_mem>>) src(%dma_wait3A_205 : memref<200x64xf32, #tpu.memory_space<vmem>>) dst(%dma_wait3A_211 : memref<10240x64xf32, #tpu.memory_space<vmem_shared>>)
      } else {
      }
      %jit3A_149 = arith.constant 2 : i32
      %eq3A_150 = arith.constant 0 : i32
      %eq3A_151 = arith.cmpi eq, %jit3A_149, %eq3A_150 : i32
      %jit3A_152 = arith.constant 1 : i32
      %select_n3A_153 = arith.select %eq3A_151, %jit3A_152, %jit3A_149 : i32
      %rem3A_154 = arith.remsi %add3A_112, %select_n3A_153 : i32
      %ne3A_155 = arith.constant 0 : i32
      %ne3A_156 = arith.cmpi ne, %rem3A_154, %ne3A_155 : i32
      %lt3A_157 = arith.constant 0 : i32
      %lt3A_158 = arith.cmpi slt, %rem3A_154, %lt3A_157 : i32
      %lt3A_159 = arith.constant 0 : i32
      %lt3A_160 = arith.cmpi slt, %select_n3A_153, %lt3A_159 : i32
      %ne3A_161 = arith.xori %lt3A_158, %lt3A_160 : i1
      %and3A_162 = arith.andi %ne3A_161, %ne3A_156 : i1
      %add3A_163 = arith.addi %rem3A_154, %select_n3A_153 : i32
      %select_n3A_164 = arith.select %and3A_162, %add3A_163, %rem3A_154 : i32
      %dma_start3A_165 = arith.constant 1 : i32
      %dma_start3A_166 = arith.constant 0 : i32
      %dma_start3A_167 = arith.constant 0 : i32
      %dma_start3A_168 = tpu.memref_slice %arg10[%select_n3A_164, %dma_start3A_166, %dma_start3A_167] : memref<2x200x64xf32, #tpu.memory_space<vmem>> -> memref<1x200x64xf32, #tpu.memory_space<vmem>>
      %dma_start3A_169 = tpu.memref_squeeze %dma_start3A_168 : memref<1x200x64xf32, #tpu.memory_space<vmem>> -> memref<200x64xf32, #tpu.memory_space<vmem>>
      %dma_start3A_170 = arith.constant 0 : i32
      %dma_start3A_171 = tpu.memref_slice %arg9[%add3A_112, %dma_start3A_170] : memref<50x200xi32, #tpu.memory_space<vmem>> -> memref<1x200xi32, #tpu.memory_space<vmem>>
      %dma_start3A_172 = tpu.memref_squeeze %dma_start3A_171 : memref<1x200xi32, #tpu.memory_space<vmem>> -> memref<200xi32, #tpu.memory_space<vmem>>
      %dma_start3A_173 = arith.constant 0 : i32
      %dma_start3A_174 = arith.constant 0 : i32
      %dma_start3A_175 = tpu.memref_slice %arg7[%dma_start3A_173, %dma_start3A_174] : memref<10240x64xf32, #tpu.memory_space<vmem_shared>> -> memref<10240x64xf32, #tpu.memory_space<vmem_shared>>
      %dma_start3A_176 = tpu.memref_slice %arg12[%dma_start3A_165] : memref<2x!tpu.dma_semaphore, #tpu.memory_space<semaphore_mem>> -> memref<1x!tpu.dma_semaphore, #tpu.memory_space<semaphore_mem>>
      %dma_start3A_177 = tpu.memref_squeeze %dma_start3A_176 : memref<1x!tpu.dma_semaphore, #tpu.memory_space<semaphore_mem>> -> memref<!tpu.dma_semaphore, #tpu.memory_space<semaphore_mem>>
      tpu.enqueue_indirect_dma source(%dma_start3A_169 : memref<200x64xf32, #tpu.memory_space<vmem>>) target(%dma_start3A_175 : memref<10240x64xf32, #tpu.memory_space<vmem_shared>>) offsets(%dma_start3A_172 : memref<200xi32, #tpu.memory_space<vmem>>) semaphore(%dma_start3A_177 : memref<!tpu.dma_semaphore, #tpu.memory_space<semaphore_mem>>) {add = true}
      %add3A_178 = arith.constant 1 : i32
      %add3A_179 = arith.addi %add3A_112, %add3A_178 : i32
      %lt3A_180 = arith.constant 50 : i32
      %lt3A_181 = arith.cmpi slt, %add3A_179, %lt3A_180 : i32
      %convert_element_type3A_182 = arith.extui %lt3A_181 : i1 to i32
      %cond3A_183 = arith.constant 0 : i32
      %cond3A_184 = arith.cmpi ne, %convert_element_type3A_182, %cond3A_183 : i32
      scf.if %cond3A_184 {
        %add3A_185 = arith.constant 1 : i32
        %add3A_186 = arith.addi %add3A_112, %add3A_185 : i32
        %jit3A_187 = arith.constant 2 : i32
        %eq3A_188 = arith.constant 0 : i32
        %eq3A_189 = arith.cmpi eq, %jit3A_187, %eq3A_188 : i32
        %jit3A_190 = arith.constant 1 : i32
        %select_n3A_191 = arith.select %eq3A_189, %jit3A_190, %jit3A_187 : i32
        %rem3A_192 = arith.remsi %add3A_186, %select_n3A_191 : i32
        %ne3A_193 = arith.constant 0 : i32
        %ne3A_194 = arith.cmpi ne, %rem3A_192, %ne3A_193 : i32
        %lt3A_195 = arith.constant 0 : i32
        %lt3A_196 = arith.cmpi slt, %rem3A_192, %lt3A_195 : i32
        %lt3A_197 = arith.constant 0 : i32
        %lt3A_198 = arith.cmpi slt, %select_n3A_191, %lt3A_197 : i32
        %ne3A_199 = arith.xori %lt3A_196, %lt3A_198 : i1
        %and3A_200 = arith.andi %ne3A_199, %ne3A_194 : i1
        %add3A_201 = arith.addi %rem3A_192, %select_n3A_191 : i32
        %select_n3A_202 = arith.select %and3A_200, %add3A_201, %rem3A_192 : i32
        %dma_start3A_203 = arith.constant 0 : i32
        %dma_start3A_204 = arith.constant 0 : i32
        %dma_start3A_205 = arith.constant 0 : i32
        %dma_start3A_206 = tpu.memref_slice %arg10[%select_n3A_202, %dma_start3A_204, %dma_start3A_205] : memref<2x200x64xf32, #tpu.memory_space<vmem>> -> memref<1x200x64xf32, #tpu.memory_space<vmem>>
        %dma_start3A_207 = tpu.memref_squeeze %dma_start3A_206 : memref<1x200x64xf32, #tpu.memory_space<vmem>> -> memref<200x64xf32, #tpu.memory_space<vmem>>
        %dma_start3A_208 = arith.constant 0 : i32
        %dma_start3A_209 = tpu.memref_slice %arg8[%add3A_186, %dma_start3A_208] : memref<50x200xi32, #tpu.memory_space<vmem>> -> memref<1x200xi32, #tpu.memory_space<vmem>>
        %dma_start3A_210 = tpu.memref_squeeze %dma_start3A_209 : memref<1x200xi32, #tpu.memory_space<vmem>> -> memref<200xi32, #tpu.memory_space<vmem>>
        %dma_start3A_211 = arith.constant 0 : i32
        %dma_start3A_212 = arith.constant 0 : i32
        %dma_start3A_213 = tpu.memref_slice %arg2[%dma_start3A_211, %dma_start3A_212] : memref<10000x64xf32, #tpu.memory_space<hbm>> -> memref<10000x64xf32, #tpu.memory_space<hbm>>
        %dma_start3A_214 = tpu.memref_slice %arg11[%dma_start3A_203] : memref<2x!tpu.dma_semaphore, #tpu.memory_space<semaphore_mem>> -> memref<1x!tpu.dma_semaphore, #tpu.memory_space<semaphore_mem>>
        %dma_start3A_215 = tpu.memref_squeeze %dma_start3A_214 : memref<1x!tpu.dma_semaphore, #tpu.memory_space<semaphore_mem>> -> memref<!tpu.dma_semaphore, #tpu.memory_space<semaphore_mem>>
        tpu.enqueue_indirect_dma source(%dma_start3A_213 : memref<10000x64xf32, #tpu.memory_space<hbm>>) target(%dma_start3A_207 : memref<200x64xf32, #tpu.memory_space<vmem>>) offsets(%dma_start3A_210 : memref<200xi32, #tpu.memory_space<vmem>>) semaphore(%dma_start3A_215 : memref<!tpu.dma_semaphore, #tpu.memory_space<semaphore_mem>>)
      } else {
      }
    }
    %scan3A_23 = arith.constant 25 : i32
    %dma_wait3A = arith.constant 1 : i32
    %dma_wait3A_24 = arith.constant 49 : i32
    %dma_wait3A_25 = arith.constant 1 : i32
    %dma_wait3A_26 = arith.constant 0 : i32
    %dma_wait3A_27 = arith.constant 0 : i32
    %dma_wait3A_28 = tpu.memref_slice %arg10[%dma_wait3A, %dma_wait3A_26, %dma_wait3A_27] : memref<2x200x64xf32, #tpu.memory_space<vmem>> -> memref<1x200x64xf32, #tpu.memory_space<vmem>>
    %dma_wait3A_29 = tpu.memref_squeeze %dma_wait3A_28 : memref<1x200x64xf32, #tpu.memory_space<vmem>> -> memref<200x64xf32, #tpu.memory_space<vmem>>
    %dma_wait3A_30 = arith.constant 0 : i32
    %dma_wait3A_31 = tpu.memref_slice %arg9[%dma_wait3A_24, %dma_wait3A_30] : memref<50x200xi32, #tpu.memory_space<vmem>> -> memref<1x200xi32, #tpu.memory_space<vmem>>
    %dma_wait3A_32 = tpu.memref_squeeze %dma_wait3A_31 : memref<1x200xi32, #tpu.memory_space<vmem>> -> memref<200xi32, #tpu.memory_space<vmem>>
    %dma_wait3A_33 = arith.constant 0 : i32
    %dma_wait3A_34 = arith.constant 0 : i32
    %dma_wait3A_35 = tpu.memref_slice %arg7[%dma_wait3A_33, %dma_wait3A_34] : memref<10240x64xf32, #tpu.memory_space<vmem_shared>> -> memref<10240x64xf32, #tpu.memory_space<vmem_shared>>
    %dma_wait3A_36 = tpu.memref_slice %arg12[%dma_wait3A_25] : memref<2x!tpu.dma_semaphore, #tpu.memory_space<semaphore_mem>> -> memref<1x!tpu.dma_semaphore, #tpu.memory_space<semaphore_mem>>
    %dma_wait3A_37 = tpu.memref_squeeze %dma_wait3A_36 : memref<1x!tpu.dma_semaphore, #tpu.memory_space<semaphore_mem>> -> memref<!tpu.dma_semaphore, #tpu.memory_space<semaphore_mem>>
    tpu.wait_indirect_dma semaphore(%dma_wait3A_37 : memref<!tpu.dma_semaphore, #tpu.memory_space<semaphore_mem>>) src(%dma_wait3A_29 : memref<200x64xf32, #tpu.memory_space<vmem>>) dst(%dma_wait3A_35 : memref<10240x64xf32, #tpu.memory_space<vmem_shared>>)
    %barrier3A_38 = arith.constant 0 : index
    tpu.barrier barrier_id(%barrier3A_38)
    %mul3A_39 = arith.constant 640 : i32
    %mul3A_40 = arith.muli %arg1, %mul3A_39 : i32
    %mul3A_41 = arith.constant 640 : i32
    %mul3A_42 = arith.muli %arg1, %mul3A_41 : i32
    "tpu.region"() ({
      %run_scoped3A = tpu.sem_alloc : memref<!tpu.dma_semaphore, #tpu.memory_space<semaphore_mem>>
      %dma_start3A_43 = arith.constant 0 : i32
      %dma_start3A_44 = arith.constant 0 : i32
      %dma_start3A_45 = tpu.memref_slice %arg6[%arg0, %dma_start3A_43, %dma_start3A_44] : memref<2x10240x64xf32, #tpu.memory_space<hbm>> -> memref<1x10240x64xf32, #tpu.memory_space<hbm>>
      %dma_start3A_46 = tpu.memref_squeeze %dma_start3A_45 : memref<1x10240x64xf32, #tpu.memory_space<hbm>> -> memref<10240x64xf32, #tpu.memory_space<hbm>>
      %dma_start3A_47 = arith.constant 0 : i32
      %dma_start3A_48 = tpu.memref_slice %dma_start3A_46[%mul3A_42, %dma_start3A_47] : memref<10240x64xf32, #tpu.memory_space<hbm>> -> memref<640x64xf32, #tpu.memory_space<hbm>>
      %dma_start3A_49 = arith.constant 0 : i32
      %dma_start3A_50 = tpu.memref_slice %arg7[%mul3A_40, %dma_start3A_49] : memref<10240x64xf32, #tpu.memory_space<vmem_shared>> -> memref<640x64xf32, #tpu.memory_space<vmem_shared>>
      tpu.enqueue_dma source(%dma_start3A_50 : memref<640x64xf32, #tpu.memory_space<vmem_shared>>) target(%dma_start3A_48 : memref<640x64xf32, #tpu.memory_space<hbm>>) target_semaphore(%run_scoped3A : memref<!tpu.dma_semaphore, #tpu.memory_space<semaphore_mem>>)
      %dma_wait3A_51 = arith.constant 0 : i32
      %dma_wait3A_52 = arith.constant 0 : i32
      %dma_wait3A_53 = tpu.memref_slice %arg6[%arg0, %dma_wait3A_51, %dma_wait3A_52] : memref<2x10240x64xf32, #tpu.memory_space<hbm>> -> memref<1x10240x64xf32, #tpu.memory_space<hbm>>
      %dma_wait3A_54 = tpu.memref_squeeze %dma_wait3A_53 : memref<1x10240x64xf32, #tpu.memory_space<hbm>> -> memref<10240x64xf32, #tpu.memory_space<hbm>>
      %dma_wait3A_55 = arith.constant 0 : i32
      %dma_wait3A_56 = tpu.memref_slice %dma_wait3A_54[%mul3A_42, %dma_wait3A_55] : memref<10240x64xf32, #tpu.memory_space<hbm>> -> memref<640x64xf32, #tpu.memory_space<hbm>>
      %dma_wait3A_57 = arith.constant 0 : i32
      %dma_wait3A_58 = tpu.memref_slice %arg7[%mul3A_40, %dma_wait3A_57] : memref<10240x64xf32, #tpu.memory_space<vmem_shared>> -> memref<640x64xf32, #tpu.memory_space<vmem_shared>>
      tpu.wait_dma2 semaphore(%run_scoped3A : memref<!tpu.dma_semaphore, #tpu.memory_space<semaphore_mem>>) src(%dma_wait3A_58 : memref<640x64xf32, #tpu.memory_space<vmem_shared>>) dst(%dma_wait3A_56 : memref<640x64xf32, #tpu.memory_space<hbm>>)
      tpu.yield
    }) : () -> ()
    return
  }
}

#map = affine_map<(d0, d1) -> (0, 0, 0)>
#map1 = affine_map<(d0, d1) -> (0, 0)>
#map2 = affine_map<(d0, d1) -> (0)>
module attributes {stable_mosaic.version = 14 : i64} {
  func.func @_sc_agg_body(%arg0: i32, %arg1: i32, %arg2: memref<2x10000x64xf32, #tpu.memory_space<hbm>>, %arg3: memref<16x100x200xi32, #tpu.memory_space<hbm>>, %arg4: memref<16x100x200xi32, #tpu.memory_space<hbm>>, %arg5: memref<10240x64xf32, #tpu.memory_space<hbm>>, %arg6: memref<10240xf32, #tpu.memory_space<hbm>>, %arg7: memref<200xf32, #tpu.memory_space<hbm>>, %arg8: memref<2x10240x64xf32, #tpu.memory_space<hbm>>, %arg9: memref<2x10240xf32, #tpu.memory_space<hbm>>, %arg10: memref<10240x64xf32, #tpu.memory_space<vmem_shared>>, %arg11: memref<100x200xi32, #tpu.memory_space<vmem>>, %arg12: memref<100x200xi32, #tpu.memory_space<vmem>>, %arg13: memref<3x200x64xf32, #tpu.memory_space<vmem>>, %arg14: memref<2x!tpu.dma_semaphore, #tpu.memory_space<semaphore_mem>>, %arg15: memref<2x!tpu.dma_semaphore, #tpu.memory_space<semaphore_mem>>, %arg16: memref<10240xf32, #tpu.memory_space<vmem_shared>>, %arg17: memref<200xf32, #tpu.memory_space<vmem>>, %arg18: memref<2x!tpu.dma_semaphore, #tpu.memory_space<semaphore_mem>>) attributes {dimension_semantics = [#tpu.dimension_semantics<core_parallel>, #tpu.dimension_semantics<subcore_parallel>], iteration_bounds = array<i64: 2, 16>, scalar_prefetch = 0 : i64, scratch_operands = 9 : i64, tpu.core_type = #tpu.core_type<sc_vector_subcore>, window_params = [{transform_indices = #map}, {transform_indices = #map}, {transform_indices = #map}, {transform_indices = #map1}, {transform_indices = #map2}, {transform_indices = #map2}, {transform_indices = #map}, {transform_indices = #map1}]} {
    %mul3A = arith.constant 640 : i32
    %mul3A_0 = arith.muli %arg1, %mul3A : i32
    %mul3A_1 = arith.constant 640 : i32
    %mul3A_2 = arith.muli %arg1, %mul3A_1 : i32
    "tpu.region"() ({
      %run_scoped3A = tpu.sem_alloc : memref<!tpu.dma_semaphore, #tpu.memory_space<semaphore_mem>>
      %dma_start3A_86 = arith.constant 0 : i32
      %dma_start3A_87 = tpu.memref_slice %arg10[%mul3A_2, %dma_start3A_86] : memref<10240x64xf32, #tpu.memory_space<vmem_shared>> -> memref<640x64xf32, #tpu.memory_space<vmem_shared>>
      %dma_start3A_88 = arith.constant 0 : i32
      %dma_start3A_89 = tpu.memref_slice %arg5[%mul3A_0, %dma_start3A_88] : memref<10240x64xf32, #tpu.memory_space<hbm>> -> memref<640x64xf32, #tpu.memory_space<hbm>>
      tpu.enqueue_dma source(%dma_start3A_89 : memref<640x64xf32, #tpu.memory_space<hbm>>) target(%dma_start3A_87 : memref<640x64xf32, #tpu.memory_space<vmem_shared>>) target_semaphore(%run_scoped3A : memref<!tpu.dma_semaphore, #tpu.memory_space<semaphore_mem>>)
      %dma_wait3A_90 = arith.constant 0 : i32
      %dma_wait3A_91 = tpu.memref_slice %arg10[%mul3A_2, %dma_wait3A_90] : memref<10240x64xf32, #tpu.memory_space<vmem_shared>> -> memref<640x64xf32, #tpu.memory_space<vmem_shared>>
      %dma_wait3A_92 = arith.constant 0 : i32
      %dma_wait3A_93 = tpu.memref_slice %arg5[%mul3A_0, %dma_wait3A_92] : memref<10240x64xf32, #tpu.memory_space<hbm>> -> memref<640x64xf32, #tpu.memory_space<hbm>>
      tpu.wait_dma2 semaphore(%run_scoped3A : memref<!tpu.dma_semaphore, #tpu.memory_space<semaphore_mem>>) src(%dma_wait3A_93 : memref<640x64xf32, #tpu.memory_space<hbm>>) dst(%dma_wait3A_91 : memref<640x64xf32, #tpu.memory_space<vmem_shared>>)
      tpu.yield
    }) : () -> ()
    %mul3A_3 = arith.constant 640 : i32
    %mul3A_4 = arith.muli %arg1, %mul3A_3 : i32
    %mul3A_5 = arith.constant 640 : i32
    %mul3A_6 = arith.muli %arg1, %mul3A_5 : i32
    "tpu.region"() ({
      %run_scoped3A = tpu.sem_alloc : memref<!tpu.dma_semaphore, #tpu.memory_space<semaphore_mem>>
      %dma_start3A_86 = tpu.memref_slice %arg16[%mul3A_6] : memref<10240xf32, #tpu.memory_space<vmem_shared>> -> memref<640xf32, #tpu.memory_space<vmem_shared>>
      %dma_start3A_87 = tpu.memref_slice %arg6[%mul3A_4] : memref<10240xf32, #tpu.memory_space<hbm>> -> memref<640xf32, #tpu.memory_space<hbm>>
      tpu.enqueue_dma source(%dma_start3A_87 : memref<640xf32, #tpu.memory_space<hbm>>) target(%dma_start3A_86 : memref<640xf32, #tpu.memory_space<vmem_shared>>) target_semaphore(%run_scoped3A : memref<!tpu.dma_semaphore, #tpu.memory_space<semaphore_mem>>)
      %dma_wait3A_88 = tpu.memref_slice %arg16[%mul3A_6] : memref<10240xf32, #tpu.memory_space<vmem_shared>> -> memref<640xf32, #tpu.memory_space<vmem_shared>>
      %dma_wait3A_89 = tpu.memref_slice %arg6[%mul3A_4] : memref<10240xf32, #tpu.memory_space<hbm>> -> memref<640xf32, #tpu.memory_space<hbm>>
      tpu.wait_dma2 semaphore(%run_scoped3A : memref<!tpu.dma_semaphore, #tpu.memory_space<semaphore_mem>>) src(%dma_wait3A_89 : memref<640xf32, #tpu.memory_space<hbm>>) dst(%dma_wait3A_88 : memref<640xf32, #tpu.memory_space<vmem_shared>>)
      tpu.yield
    }) : () -> ()
    "tpu.region"() ({
      %run_scoped3A = tpu.sem_alloc : memref<!tpu.dma_semaphore, #tpu.memory_space<semaphore_mem>>
      tpu.enqueue_dma source(%arg7 : memref<200xf32, #tpu.memory_space<hbm>>) target(%arg17 : memref<200xf32, #tpu.memory_space<vmem>>) target_semaphore(%run_scoped3A : memref<!tpu.dma_semaphore, #tpu.memory_space<semaphore_mem>>)
      tpu.wait_dma2 semaphore(%run_scoped3A : memref<!tpu.dma_semaphore, #tpu.memory_space<semaphore_mem>>) src(%arg7 : memref<200xf32, #tpu.memory_space<hbm>>) dst(%arg17 : memref<200xf32, #tpu.memory_space<vmem>>)
      tpu.yield
    }) : () -> ()
    "tpu.region"() ({
      %run_scoped3A = tpu.sem_alloc : memref<!tpu.dma_semaphore, #tpu.memory_space<semaphore_mem>>
      %dma_start3A_86 = arith.constant 0 : i32
      %dma_start3A_87 = arith.constant 0 : i32
      %dma_start3A_88 = tpu.memref_slice %arg3[%arg1, %dma_start3A_86, %dma_start3A_87] : memref<16x100x200xi32, #tpu.memory_space<hbm>> -> memref<1x100x200xi32, #tpu.memory_space<hbm>>
      %dma_start3A_89 = tpu.memref_squeeze %dma_start3A_88 : memref<1x100x200xi32, #tpu.memory_space<hbm>> -> memref<100x200xi32, #tpu.memory_space<hbm>>
      %dma_start3A_90 = arith.constant 0 : i32
      %dma_start3A_91 = arith.constant 0 : i32
      %dma_start3A_92 = tpu.memref_slice %arg3[%arg1, %dma_start3A_90, %dma_start3A_91] : memref<16x100x200xi32, #tpu.memory_space<hbm>> -> memref<1x100x200xi32, #tpu.memory_space<hbm>>
      %dma_start3A_93 = tpu.memref_squeeze %dma_start3A_92 : memref<1x100x200xi32, #tpu.memory_space<hbm>> -> memref<100x200xi32, #tpu.memory_space<hbm>>
      tpu.enqueue_dma source(%dma_start3A_93 : memref<100x200xi32, #tpu.memory_space<hbm>>) target(%arg11 : memref<100x200xi32, #tpu.memory_space<vmem>>) target_semaphore(%run_scoped3A : memref<!tpu.dma_semaphore, #tpu.memory_space<semaphore_mem>>)
      %dma_wait3A_94 = arith.constant 0 : i32
      %dma_wait3A_95 = arith.constant 0 : i32
      %dma_wait3A_96 = tpu.memref_slice %arg3[%arg1, %dma_wait3A_94, %dma_wait3A_95] : memref<16x100x200xi32, #tpu.memory_space<hbm>> -> memref<1x100x200xi32, #tpu.memory_space<hbm>>
      %dma_wait3A_97 = tpu.memref_squeeze %dma_wait3A_96 : memref<1x100x200xi32, #tpu.memory_space<hbm>> -> memref<100x200xi32, #tpu.memory_space<hbm>>
      %dma_wait3A_98 = arith.constant 0 : i32
      %dma_wait3A_99 = arith.constant 0 : i32
      %dma_wait3A_100 = tpu.memref_slice %arg3[%arg1, %dma_wait3A_98, %dma_wait3A_99] : memref<16x100x200xi32, #tpu.memory_space<hbm>> -> memref<1x100x200xi32, #tpu.memory_space<hbm>>
      %dma_wait3A_101 = tpu.memref_squeeze %dma_wait3A_100 : memref<1x100x200xi32, #tpu.memory_space<hbm>> -> memref<100x200xi32, #tpu.memory_space<hbm>>
      tpu.wait_dma2 semaphore(%run_scoped3A : memref<!tpu.dma_semaphore, #tpu.memory_space<semaphore_mem>>) src(%dma_wait3A_101 : memref<100x200xi32, #tpu.memory_space<hbm>>) dst(%arg11 : memref<100x200xi32, #tpu.memory_space<vmem>>)
      tpu.yield
    }) : () -> ()
    "tpu.region"() ({
      %run_scoped3A = tpu.sem_alloc : memref<!tpu.dma_semaphore, #tpu.memory_space<semaphore_mem>>
      %dma_start3A_86 = arith.constant 0 : i32
      %dma_start3A_87 = arith.constant 0 : i32
      %dma_start3A_88 = tpu.memref_slice %arg4[%arg1, %dma_start3A_86, %dma_start3A_87] : memref<16x100x200xi32, #tpu.memory_space<hbm>> -> memref<1x100x200xi32, #tpu.memory_space<hbm>>
      %dma_start3A_89 = tpu.memref_squeeze %dma_start3A_88 : memref<1x100x200xi32, #tpu.memory_space<hbm>> -> memref<100x200xi32, #tpu.memory_space<hbm>>
      %dma_start3A_90 = arith.constant 0 : i32
      %dma_start3A_91 = arith.constant 0 : i32
      %dma_start3A_92 = tpu.memref_slice %arg4[%arg1, %dma_start3A_90, %dma_start3A_91] : memref<16x100x200xi32, #tpu.memory_space<hbm>> -> memref<1x100x200xi32, #tpu.memory_space<hbm>>
      %dma_start3A_93 = tpu.memref_squeeze %dma_start3A_92 : memref<1x100x200xi32, #tpu.memory_space<hbm>> -> memref<100x200xi32, #tpu.memory_space<hbm>>
      tpu.enqueue_dma source(%dma_start3A_93 : memref<100x200xi32, #tpu.memory_space<hbm>>) target(%arg12 : memref<100x200xi32, #tpu.memory_space<vmem>>) target_semaphore(%run_scoped3A : memref<!tpu.dma_semaphore, #tpu.memory_space<semaphore_mem>>)
      %dma_wait3A_94 = arith.constant 0 : i32
      %dma_wait3A_95 = arith.constant 0 : i32
      %dma_wait3A_96 = tpu.memref_slice %arg4[%arg1, %dma_wait3A_94, %dma_wait3A_95] : memref<16x100x200xi32, #tpu.memory_space<hbm>> -> memref<1x100x200xi32, #tpu.memory_space<hbm>>
      %dma_wait3A_97 = tpu.memref_squeeze %dma_wait3A_96 : memref<1x100x200xi32, #tpu.memory_space<hbm>> -> memref<100x200xi32, #tpu.memory_space<hbm>>
      %dma_wait3A_98 = arith.constant 0 : i32
      %dma_wait3A_99 = arith.constant 0 : i32
      %dma_wait3A_100 = tpu.memref_slice %arg4[%arg1, %dma_wait3A_98, %dma_wait3A_99] : memref<16x100x200xi32, #tpu.memory_space<hbm>> -> memref<1x100x200xi32, #tpu.memory_space<hbm>>
      %dma_wait3A_101 = tpu.memref_squeeze %dma_wait3A_100 : memref<1x100x200xi32, #tpu.memory_space<hbm>> -> memref<100x200xi32, #tpu.memory_space<hbm>>
      tpu.wait_dma2 semaphore(%run_scoped3A : memref<!tpu.dma_semaphore, #tpu.memory_space<semaphore_mem>>) src(%dma_wait3A_101 : memref<100x200xi32, #tpu.memory_space<hbm>>) dst(%arg12 : memref<100x200xi32, #tpu.memory_space<vmem>>)
      tpu.yield
    }) : () -> ()
    %barrier3A = arith.constant 0 : index
    tpu.barrier barrier_id(%barrier3A)
    %dma_start3A = arith.constant 0 : i32
    %dma_start3A_7 = arith.constant 0 : i32
    %dma_start3A_8 = arith.constant 0 : i32
    %dma_start3A_9 = arith.constant 0 : i32
    %dma_start3A_10 = arith.constant 0 : i32
    %dma_start3A_11 = tpu.memref_slice %arg13[%dma_start3A_7, %dma_start3A_9, %dma_start3A_10] : memref<3x200x64xf32, #tpu.memory_space<vmem>> -> memref<1x200x64xf32, #tpu.memory_space<vmem>>
    %dma_start3A_12 = tpu.memref_squeeze %dma_start3A_11 : memref<1x200x64xf32, #tpu.memory_space<vmem>> -> memref<200x64xf32, #tpu.memory_space<vmem>>
    %dma_start3A_13 = arith.constant 0 : i32
    %dma_start3A_14 = tpu.memref_slice %arg11[%dma_start3A, %dma_start3A_13] : memref<100x200xi32, #tpu.memory_space<vmem>> -> memref<1x200xi32, #tpu.memory_space<vmem>>
    %dma_start3A_15 = tpu.memref_squeeze %dma_start3A_14 : memref<1x200xi32, #tpu.memory_space<vmem>> -> memref<200xi32, #tpu.memory_space<vmem>>
    %dma_start3A_16 = arith.constant 0 : i32
    %dma_start3A_17 = arith.constant 0 : i32
    %dma_start3A_18 = tpu.memref_slice %arg2[%arg0, %dma_start3A_16, %dma_start3A_17] : memref<2x10000x64xf32, #tpu.memory_space<hbm>> -> memref<1x10000x64xf32, #tpu.memory_space<hbm>>
    %dma_start3A_19 = tpu.memref_squeeze %dma_start3A_18 : memref<1x10000x64xf32, #tpu.memory_space<hbm>> -> memref<10000x64xf32, #tpu.memory_space<hbm>>
    %dma_start3A_20 = arith.constant 0 : i32
    %dma_start3A_21 = arith.constant 0 : i32
    %dma_start3A_22 = tpu.memref_slice %dma_start3A_19[%dma_start3A_20, %dma_start3A_21] : memref<10000x64xf32, #tpu.memory_space<hbm>> -> memref<10000x64xf32, #tpu.memory_space<hbm>>
    %dma_start3A_23 = tpu.memref_slice %arg14[%dma_start3A_8] : memref<2x!tpu.dma_semaphore, #tpu.memory_space<semaphore_mem>> -> memref<1x!tpu.dma_semaphore, #tpu.memory_space<semaphore_mem>>
    %dma_start3A_24 = tpu.memref_squeeze %dma_start3A_23 : memref<1x!tpu.dma_semaphore, #tpu.memory_space<semaphore_mem>> -> memref<!tpu.dma_semaphore, #tpu.memory_space<semaphore_mem>>
    tpu.enqueue_indirect_dma source(%dma_start3A_22 : memref<10000x64xf32, #tpu.memory_space<hbm>>) target(%dma_start3A_12 : memref<200x64xf32, #tpu.memory_space<vmem>>) offsets(%dma_start3A_15 : memref<200xi32, #tpu.memory_space<vmem>>) semaphore(%dma_start3A_24 : memref<!tpu.dma_semaphore, #tpu.memory_space<semaphore_mem>>)
    %scan3A = arith.constant 0 : i32
    %scan3A_25 = arith.constant 0 : i32
    %scan3A_26 = arith.constant 50 : i32
    %scan3A_27 = arith.addi %scan3A_25, %scan3A_26 : i32
    %scan3A_28 = arith.constant 1 : i32
    scf.for %scan3A_86 = %scan3A_25 to %scan3A_27 step %scan3A_28  : i32 {
      %mul3A_87 = arith.constant 2 : i32
      %mul3A_88 = arith.muli %mul3A_87, %scan3A_86 : i32
      %add3A = arith.constant 0 : i32
      %add3A_89 = arith.addi %mul3A_88, %add3A : i32
      %jit3A = arith.constant 3 : i32
      %eq3A = arith.constant 0 : i32
      %eq3A_90 = arith.cmpi eq, %jit3A, %eq3A : i32
      %jit3A_91 = arith.constant 1 : i32
      %select_n3A = arith.select %eq3A_90, %jit3A_91, %jit3A : i32
      %rem3A = arith.remsi %add3A_89, %select_n3A : i32
      %ne3A = arith.constant 0 : i32
      %ne3A_92 = arith.cmpi ne, %rem3A, %ne3A : i32
      %lt3A = arith.constant 0 : i32
      %lt3A_93 = arith.cmpi slt, %rem3A, %lt3A : i32
      %lt3A_94 = arith.constant 0 : i32
      %lt3A_95 = arith.cmpi slt, %select_n3A, %lt3A_94 : i32
      %ne3A_96 = arith.xori %lt3A_93, %lt3A_95 : i1
      %and3A = arith.andi %ne3A_96, %ne3A_92 : i1
      %add3A_97 = arith.addi %rem3A, %select_n3A : i32
      %select_n3A_98 = arith.select %and3A, %add3A_97, %rem3A : i32
      %dma_wait3A_99 = arith.constant 0 : i32
      %dma_wait3A_100 = arith.constant 0 : i32
      %dma_wait3A_101 = arith.constant 0 : i32
      %dma_wait3A_102 = tpu.memref_slice %arg13[%select_n3A_98, %dma_wait3A_100, %dma_wait3A_101] : memref<3x200x64xf32, #tpu.memory_space<vmem>> -> memref<1x200x64xf32, #tpu.memory_space<vmem>>
      %dma_wait3A_103 = tpu.memref_squeeze %dma_wait3A_102 : memref<1x200x64xf32, #tpu.memory_space<vmem>> -> memref<200x64xf32, #tpu.memory_space<vmem>>
      %dma_wait3A_104 = arith.constant 0 : i32
      %dma_wait3A_105 = tpu.memref_slice %arg11[%add3A_89, %dma_wait3A_104] : memref<100x200xi32, #tpu.memory_space<vmem>> -> memref<1x200xi32, #tpu.memory_space<vmem>>
      %dma_wait3A_106 = tpu.memref_squeeze %dma_wait3A_105 : memref<1x200xi32, #tpu.memory_space<vmem>> -> memref<200xi32, #tpu.memory_space<vmem>>
      %dma_wait3A_107 = arith.constant 0 : i32
      %dma_wait3A_108 = arith.constant 0 : i32
      %dma_wait3A_109 = tpu.memref_slice %arg2[%arg0, %dma_wait3A_107, %dma_wait3A_108] : memref<2x10000x64xf32, #tpu.memory_space<hbm>> -> memref<1x10000x64xf32, #tpu.memory_space<hbm>>
      %dma_wait3A_110 = tpu.memref_squeeze %dma_wait3A_109 : memref<1x10000x64xf32, #tpu.memory_space<hbm>> -> memref<10000x64xf32, #tpu.memory_space<hbm>>
      %dma_wait3A_111 = arith.constant 0 : i32
      %dma_wait3A_112 = arith.constant 0 : i32
      %dma_wait3A_113 = tpu.memref_slice %dma_wait3A_110[%dma_wait3A_111, %dma_wait3A_112] : memref<10000x64xf32, #tpu.memory_space<hbm>> -> memref<10000x64xf32, #tpu.memory_space<hbm>>
      %dma_wait3A_114 = tpu.memref_slice %arg14[%dma_wait3A_99] : memref<2x!tpu.dma_semaphore, #tpu.memory_space<semaphore_mem>> -> memref<1x!tpu.dma_semaphore, #tpu.memory_space<semaphore_mem>>
      %dma_wait3A_115 = tpu.memref_squeeze %dma_wait3A_114 : memref<1x!tpu.dma_semaphore, #tpu.memory_space<semaphore_mem>> -> memref<!tpu.dma_semaphore, #tpu.memory_space<semaphore_mem>>
      tpu.wait_indirect_dma semaphore(%dma_wait3A_115 : memref<!tpu.dma_semaphore, #tpu.memory_space<semaphore_mem>>) src(%dma_wait3A_113 : memref<10000x64xf32, #tpu.memory_space<hbm>>) dst(%dma_wait3A_103 : memref<200x64xf32, #tpu.memory_space<vmem>>)
      %sub3A = arith.constant 2 : i32
      %sub3A_116 = arith.subi %add3A_89, %sub3A : i32
      %ge3A = arith.constant 2 : i32
      %ge3A_117 = arith.cmpi sge, %add3A_89, %ge3A : i32
      %convert_element_type3A = arith.extui %ge3A_117 : i1 to i32
      %cond3A = arith.constant 0 : i32
      %cond3A_118 = arith.cmpi ne, %convert_element_type3A, %cond3A : i32
      scf.if %cond3A_118 {
        %jit3A_251 = arith.constant 3 : i32
        %eq3A_252 = arith.constant 0 : i32
        %eq3A_253 = arith.cmpi eq, %jit3A_251, %eq3A_252 : i32
        %jit3A_254 = arith.constant 1 : i32
        %select_n3A_255 = arith.select %eq3A_253, %jit3A_254, %jit3A_251 : i32
        %rem3A_256 = arith.remsi %sub3A_116, %select_n3A_255 : i32
        %ne3A_257 = arith.constant 0 : i32
        %ne3A_258 = arith.cmpi ne, %rem3A_256, %ne3A_257 : i32
        %lt3A_259 = arith.constant 0 : i32
        %lt3A_260 = arith.cmpi slt, %rem3A_256, %lt3A_259 : i32
        %lt3A_261 = arith.constant 0 : i32
        %lt3A_262 = arith.cmpi slt, %select_n3A_255, %lt3A_261 : i32
        %ne3A_263 = arith.xori %lt3A_260, %lt3A_262 : i1
        %and3A_264 = arith.andi %ne3A_263, %ne3A_258 : i1
        %add3A_265 = arith.addi %rem3A_256, %select_n3A_255 : i32
        %select_n3A_266 = arith.select %and3A_264, %add3A_265, %rem3A_256 : i32
        %dma_wait3A_267 = arith.constant 0 : i32
        %dma_wait3A_268 = arith.constant 0 : i32
        %dma_wait3A_269 = arith.constant 0 : i32
        %dma_wait3A_270 = tpu.memref_slice %arg13[%select_n3A_266, %dma_wait3A_268, %dma_wait3A_269] : memref<3x200x64xf32, #tpu.memory_space<vmem>> -> memref<1x200x64xf32, #tpu.memory_space<vmem>>
        %dma_wait3A_271 = tpu.memref_squeeze %dma_wait3A_270 : memref<1x200x64xf32, #tpu.memory_space<vmem>> -> memref<200x64xf32, #tpu.memory_space<vmem>>
        %dma_wait3A_272 = arith.constant 0 : i32
        %dma_wait3A_273 = tpu.memref_slice %arg12[%sub3A_116, %dma_wait3A_272] : memref<100x200xi32, #tpu.memory_space<vmem>> -> memref<1x200xi32, #tpu.memory_space<vmem>>
        %dma_wait3A_274 = tpu.memref_squeeze %dma_wait3A_273 : memref<1x200xi32, #tpu.memory_space<vmem>> -> memref<200xi32, #tpu.memory_space<vmem>>
        %dma_wait3A_275 = arith.constant 0 : i32
        %dma_wait3A_276 = arith.constant 0 : i32
        %dma_wait3A_277 = tpu.memref_slice %arg10[%dma_wait3A_275, %dma_wait3A_276] : memref<10240x64xf32, #tpu.memory_space<vmem_shared>> -> memref<10240x64xf32, #tpu.memory_space<vmem_shared>>
        %dma_wait3A_278 = tpu.memref_slice %arg15[%dma_wait3A_267] : memref<2x!tpu.dma_semaphore, #tpu.memory_space<semaphore_mem>> -> memref<1x!tpu.dma_semaphore, #tpu.memory_space<semaphore_mem>>
        %dma_wait3A_279 = tpu.memref_squeeze %dma_wait3A_278 : memref<1x!tpu.dma_semaphore, #tpu.memory_space<semaphore_mem>> -> memref<!tpu.dma_semaphore, #tpu.memory_space<semaphore_mem>>
        tpu.wait_indirect_dma semaphore(%dma_wait3A_279 : memref<!tpu.dma_semaphore, #tpu.memory_space<semaphore_mem>>) src(%dma_wait3A_271 : memref<200x64xf32, #tpu.memory_space<vmem>>) dst(%dma_wait3A_277 : memref<10240x64xf32, #tpu.memory_space<vmem_shared>>)
        %dma_wait3A_280 = arith.constant 0 : i32
        %dma_wait3A_281 = arith.constant 0 : i32
        %dma_wait3A_282 = tpu.memref_slice %arg12[%sub3A_116, %dma_wait3A_281] : memref<100x200xi32, #tpu.memory_space<vmem>> -> memref<1x200xi32, #tpu.memory_space<vmem>>
        %dma_wait3A_283 = tpu.memref_squeeze %dma_wait3A_282 : memref<1x200xi32, #tpu.memory_space<vmem>> -> memref<200xi32, #tpu.memory_space<vmem>>
        %dma_wait3A_284 = arith.constant 0 : i32
        %dma_wait3A_285 = tpu.memref_slice %arg16[%dma_wait3A_284] : memref<10240xf32, #tpu.memory_space<vmem_shared>> -> memref<10240xf32, #tpu.memory_space<vmem_shared>>
        %dma_wait3A_286 = tpu.memref_slice %arg18[%dma_wait3A_280] : memref<2x!tpu.dma_semaphore, #tpu.memory_space<semaphore_mem>> -> memref<1x!tpu.dma_semaphore, #tpu.memory_space<semaphore_mem>>
        %dma_wait3A_287 = tpu.memref_squeeze %dma_wait3A_286 : memref<1x!tpu.dma_semaphore, #tpu.memory_space<semaphore_mem>> -> memref<!tpu.dma_semaphore, #tpu.memory_space<semaphore_mem>>
        tpu.wait_indirect_dma semaphore(%dma_wait3A_287 : memref<!tpu.dma_semaphore, #tpu.memory_space<semaphore_mem>>) src(%arg17 : memref<200xf32, #tpu.memory_space<vmem>>) dst(%dma_wait3A_285 : memref<10240xf32, #tpu.memory_space<vmem_shared>>)
      } else {
      }
      %jit3A_119 = arith.constant 3 : i32
      %eq3A_120 = arith.constant 0 : i32
      %eq3A_121 = arith.cmpi eq, %jit3A_119, %eq3A_120 : i32
      %jit3A_122 = arith.constant 1 : i32
      %select_n3A_123 = arith.select %eq3A_121, %jit3A_122, %jit3A_119 : i32
      %rem3A_124 = arith.remsi %add3A_89, %select_n3A_123 : i32
      %ne3A_125 = arith.constant 0 : i32
      %ne3A_126 = arith.cmpi ne, %rem3A_124, %ne3A_125 : i32
      %lt3A_127 = arith.constant 0 : i32
      %lt3A_128 = arith.cmpi slt, %rem3A_124, %lt3A_127 : i32
      %lt3A_129 = arith.constant 0 : i32
      %lt3A_130 = arith.cmpi slt, %select_n3A_123, %lt3A_129 : i32
      %ne3A_131 = arith.xori %lt3A_128, %lt3A_130 : i1
      %and3A_132 = arith.andi %ne3A_131, %ne3A_126 : i1
      %add3A_133 = arith.addi %rem3A_124, %select_n3A_123 : i32
      %select_n3A_134 = arith.select %and3A_132, %add3A_133, %rem3A_124 : i32
      %dma_start3A_135 = arith.constant 0 : i32
      %dma_start3A_136 = arith.constant 0 : i32
      %dma_start3A_137 = arith.constant 0 : i32
      %dma_start3A_138 = tpu.memref_slice %arg13[%select_n3A_134, %dma_start3A_136, %dma_start3A_137] : memref<3x200x64xf32, #tpu.memory_space<vmem>> -> memref<1x200x64xf32, #tpu.memory_space<vmem>>
      %dma_start3A_139 = tpu.memref_squeeze %dma_start3A_138 : memref<1x200x64xf32, #tpu.memory_space<vmem>> -> memref<200x64xf32, #tpu.memory_space<vmem>>
      %dma_start3A_140 = arith.constant 0 : i32
      %dma_start3A_141 = tpu.memref_slice %arg12[%add3A_89, %dma_start3A_140] : memref<100x200xi32, #tpu.memory_space<vmem>> -> memref<1x200xi32, #tpu.memory_space<vmem>>
      %dma_start3A_142 = tpu.memref_squeeze %dma_start3A_141 : memref<1x200xi32, #tpu.memory_space<vmem>> -> memref<200xi32, #tpu.memory_space<vmem>>
      %dma_start3A_143 = arith.constant 0 : i32
      %dma_start3A_144 = arith.constant 0 : i32
      %dma_start3A_145 = tpu.memref_slice %arg10[%dma_start3A_143, %dma_start3A_144] : memref<10240x64xf32, #tpu.memory_space<vmem_shared>> -> memref<10240x64xf32, #tpu.memory_space<vmem_shared>>
      %dma_start3A_146 = tpu.memref_slice %arg15[%dma_start3A_135] : memref<2x!tpu.dma_semaphore, #tpu.memory_space<semaphore_mem>> -> memref<1x!tpu.dma_semaphore, #tpu.memory_space<semaphore_mem>>
      %dma_start3A_147 = tpu.memref_squeeze %dma_start3A_146 : memref<1x!tpu.dma_semaphore, #tpu.memory_space<semaphore_mem>> -> memref<!tpu.dma_semaphore, #tpu.memory_space<semaphore_mem>>
      tpu.enqueue_indirect_dma source(%dma_start3A_139 : memref<200x64xf32, #tpu.memory_space<vmem>>) target(%dma_start3A_145 : memref<10240x64xf32, #tpu.memory_space<vmem_shared>>) offsets(%dma_start3A_142 : memref<200xi32, #tpu.memory_space<vmem>>) semaphore(%dma_start3A_147 : memref<!tpu.dma_semaphore, #tpu.memory_space<semaphore_mem>>) {add = true}
      %dma_start3A_148 = arith.constant 0 : i32
      %dma_start3A_149 = arith.constant 0 : i32
      %dma_start3A_150 = tpu.memref_slice %arg12[%add3A_89, %dma_start3A_149] : memref<100x200xi32, #tpu.memory_space<vmem>> -> memref<1x200xi32, #tpu.memory_space<vmem>>
      %dma_start3A_151 = tpu.memref_squeeze %dma_start3A_150 : memref<1x200xi32, #tpu.memory_space<vmem>> -> memref<200xi32, #tpu.memory_space<vmem>>
      %dma_start3A_152 = arith.constant 0 : i32
      %dma_start3A_153 = tpu.memref_slice %arg16[%dma_start3A_152] : memref<10240xf32, #tpu.memory_space<vmem_shared>> -> memref<10240xf32, #tpu.memory_space<vmem_shared>>
      %dma_start3A_154 = tpu.memref_slice %arg18[%dma_start3A_148] : memref<2x!tpu.dma_semaphore, #tpu.memory_space<semaphore_mem>> -> memref<1x!tpu.dma_semaphore, #tpu.memory_space<semaphore_mem>>
      %dma_start3A_155 = tpu.memref_squeeze %dma_start3A_154 : memref<1x!tpu.dma_semaphore, #tpu.memory_space<semaphore_mem>> -> memref<!tpu.dma_semaphore, #tpu.memory_space<semaphore_mem>>
      tpu.enqueue_indirect_dma source(%arg17 : memref<200xf32, #tpu.memory_space<vmem>>) target(%dma_start3A_153 : memref<10240xf32, #tpu.memory_space<vmem_shared>>) offsets(%dma_start3A_151 : memref<200xi32, #tpu.memory_space<vmem>>) semaphore(%dma_start3A_155 : memref<!tpu.dma_semaphore, #tpu.memory_space<semaphore_mem>>) {add = true}
      %add3A_156 = arith.constant 1 : i32
      %add3A_157 = arith.addi %add3A_89, %add3A_156 : i32
      %lt3A_158 = arith.constant 100 : i32
      %lt3A_159 = arith.cmpi slt, %add3A_157, %lt3A_158 : i32
      %convert_element_type3A_160 = arith.extui %lt3A_159 : i1 to i32
      %cond3A_161 = arith.constant 0 : i32
      %cond3A_162 = arith.cmpi ne, %convert_element_type3A_160, %cond3A_161 : i32
      scf.if %cond3A_162 {
        %add3A_251 = arith.constant 1 : i32
        %add3A_252 = arith.addi %add3A_89, %add3A_251 : i32
        %jit3A_253 = arith.constant 3 : i32
        %eq3A_254 = arith.constant 0 : i32
        %eq3A_255 = arith.cmpi eq, %jit3A_253, %eq3A_254 : i32
        %jit3A_256 = arith.constant 1 : i32
        %select_n3A_257 = arith.select %eq3A_255, %jit3A_256, %jit3A_253 : i32
        %rem3A_258 = arith.remsi %add3A_252, %select_n3A_257 : i32
        %ne3A_259 = arith.constant 0 : i32
        %ne3A_260 = arith.cmpi ne, %rem3A_258, %ne3A_259 : i32
        %lt3A_261 = arith.constant 0 : i32
        %lt3A_262 = arith.cmpi slt, %rem3A_258, %lt3A_261 : i32
        %lt3A_263 = arith.constant 0 : i32
        %lt3A_264 = arith.cmpi slt, %select_n3A_257, %lt3A_263 : i32
        %ne3A_265 = arith.xori %lt3A_262, %lt3A_264 : i1
        %and3A_266 = arith.andi %ne3A_265, %ne3A_260 : i1
        %add3A_267 = arith.addi %rem3A_258, %select_n3A_257 : i32
        %select_n3A_268 = arith.select %and3A_266, %add3A_267, %rem3A_258 : i32
        %dma_start3A_269 = arith.constant 1 : i32
        %dma_start3A_270 = arith.constant 0 : i32
        %dma_start3A_271 = arith.constant 0 : i32
        %dma_start3A_272 = tpu.memref_slice %arg13[%select_n3A_268, %dma_start3A_270, %dma_start3A_271] : memref<3x200x64xf32, #tpu.memory_space<vmem>> -> memref<1x200x64xf32, #tpu.memory_space<vmem>>
        %dma_start3A_273 = tpu.memref_squeeze %dma_start3A_272 : memref<1x200x64xf32, #tpu.memory_space<vmem>> -> memref<200x64xf32, #tpu.memory_space<vmem>>
        %dma_start3A_274 = arith.constant 0 : i32
        %dma_start3A_275 = tpu.memref_slice %arg11[%add3A_252, %dma_start3A_274] : memref<100x200xi32, #tpu.memory_space<vmem>> -> memref<1x200xi32, #tpu.memory_space<vmem>>
        %dma_start3A_276 = tpu.memref_squeeze %dma_start3A_275 : memref<1x200xi32, #tpu.memory_space<vmem>> -> memref<200xi32, #tpu.memory_space<vmem>>
        %dma_start3A_277 = arith.constant 0 : i32
        %dma_start3A_278 = arith.constant 0 : i32
        %dma_start3A_279 = tpu.memref_slice %arg2[%arg0, %dma_start3A_277, %dma_start3A_278] : memref<2x10000x64xf32, #tpu.memory_space<hbm>> -> memref<1x10000x64xf32, #tpu.memory_space<hbm>>
        %dma_start3A_280 = tpu.memref_squeeze %dma_start3A_279 : memref<1x10000x64xf32, #tpu.memory_space<hbm>> -> memref<10000x64xf32, #tpu.memory_space<hbm>>
        %dma_start3A_281 = arith.constant 0 : i32
        %dma_start3A_282 = arith.constant 0 : i32
        %dma_start3A_283 = tpu.memref_slice %dma_start3A_280[%dma_start3A_281, %dma_start3A_282] : memref<10000x64xf32, #tpu.memory_space<hbm>> -> memref<10000x64xf32, #tpu.memory_space<hbm>>
        %dma_start3A_284 = tpu.memref_slice %arg14[%dma_start3A_269] : memref<2x!tpu.dma_semaphore, #tpu.memory_space<semaphore_mem>> -> memref<1x!tpu.dma_semaphore, #tpu.memory_space<semaphore_mem>>
        %dma_start3A_285 = tpu.memref_squeeze %dma_start3A_284 : memref<1x!tpu.dma_semaphore, #tpu.memory_space<semaphore_mem>> -> memref<!tpu.dma_semaphore, #tpu.memory_space<semaphore_mem>>
        tpu.enqueue_indirect_dma source(%dma_start3A_283 : memref<10000x64xf32, #tpu.memory_space<hbm>>) target(%dma_start3A_273 : memref<200x64xf32, #tpu.memory_space<vmem>>) offsets(%dma_start3A_276 : memref<200xi32, #tpu.memory_space<vmem>>) semaphore(%dma_start3A_285 : memref<!tpu.dma_semaphore, #tpu.memory_space<semaphore_mem>>)
      } else {
      }
      %mul3A_163 = arith.constant 2 : i32
      %mul3A_164 = arith.muli %mul3A_163, %scan3A_86 : i32
      %add3A_165 = arith.constant 1 : i32
      %add3A_166 = arith.addi %mul3A_164, %add3A_165 : i32
      %jit3A_167 = arith.constant 3 : i32
      %eq3A_168 = arith.constant 0 : i32
      %eq3A_169 = arith.cmpi eq, %jit3A_167, %eq3A_168 : i32
      %jit3A_170 = arith.constant 1 : i32
      %select_n3A_171 = arith.select %eq3A_169, %jit3A_170, %jit3A_167 : i32
      %rem3A_172 = arith.remsi %add3A_166, %select_n3A_171 : i32
      %ne3A_173 = arith.constant 0 : i32
      %ne3A_174 = arith.cmpi ne, %rem3A_172, %ne3A_173 : i32
      %lt3A_175 = arith.constant 0 : i32
      %lt3A_176 = arith.cmpi slt, %rem3A_172, %lt3A_175 : i32
      %lt3A_177 = arith.constant 0 : i32
      %lt3A_178 = arith.cmpi slt, %select_n3A_171, %lt3A_177 : i32
      %ne3A_179 = arith.xori %lt3A_176, %lt3A_178 : i1
      %and3A_180 = arith.andi %ne3A_179, %ne3A_174 : i1
      %add3A_181 = arith.addi %rem3A_172, %select_n3A_171 : i32
      %select_n3A_182 = arith.select %and3A_180, %add3A_181, %rem3A_172 : i32
      %dma_wait3A_183 = arith.constant 1 : i32
      %dma_wait3A_184 = arith.constant 0 : i32
      %dma_wait3A_185 = arith.constant 0 : i32
      %dma_wait3A_186 = tpu.memref_slice %arg13[%select_n3A_182, %dma_wait3A_184, %dma_wait3A_185] : memref<3x200x64xf32, #tpu.memory_space<vmem>> -> memref<1x200x64xf32, #tpu.memory_space<vmem>>
      %dma_wait3A_187 = tpu.memref_squeeze %dma_wait3A_186 : memref<1x200x64xf32, #tpu.memory_space<vmem>> -> memref<200x64xf32, #tpu.memory_space<vmem>>
      %dma_wait3A_188 = arith.constant 0 : i32
      %dma_wait3A_189 = tpu.memref_slice %arg11[%add3A_166, %dma_wait3A_188] : memref<100x200xi32, #tpu.memory_space<vmem>> -> memref<1x200xi32, #tpu.memory_space<vmem>>
      %dma_wait3A_190 = tpu.memref_squeeze %dma_wait3A_189 : memref<1x200xi32, #tpu.memory_space<vmem>> -> memref<200xi32, #tpu.memory_space<vmem>>
      %dma_wait3A_191 = arith.constant 0 : i32
      %dma_wait3A_192 = arith.constant 0 : i32
      %dma_wait3A_193 = tpu.memref_slice %arg2[%arg0, %dma_wait3A_191, %dma_wait3A_192] : memref<2x10000x64xf32, #tpu.memory_space<hbm>> -> memref<1x10000x64xf32, #tpu.memory_space<hbm>>
      %dma_wait3A_194 = tpu.memref_squeeze %dma_wait3A_193 : memref<1x10000x64xf32, #tpu.memory_space<hbm>> -> memref<10000x64xf32, #tpu.memory_space<hbm>>
      %dma_wait3A_195 = arith.constant 0 : i32
      %dma_wait3A_196 = arith.constant 0 : i32
      %dma_wait3A_197 = tpu.memref_slice %dma_wait3A_194[%dma_wait3A_195, %dma_wait3A_196] : memref<10000x64xf32, #tpu.memory_space<hbm>> -> memref<10000x64xf32, #tpu.memory_space<hbm>>
      %dma_wait3A_198 = tpu.memref_slice %arg14[%dma_wait3A_183] : memref<2x!tpu.dma_semaphore, #tpu.memory_space<semaphore_mem>> -> memref<1x!tpu.dma_semaphore, #tpu.memory_space<semaphore_mem>>
      %dma_wait3A_199 = tpu.memref_squeeze %dma_wait3A_198 : memref<1x!tpu.dma_semaphore, #tpu.memory_space<semaphore_mem>> -> memref<!tpu.dma_semaphore, #tpu.memory_space<semaphore_mem>>
      tpu.wait_indirect_dma semaphore(%dma_wait3A_199 : memref<!tpu.dma_semaphore, #tpu.memory_space<semaphore_mem>>) src(%dma_wait3A_197 : memref<10000x64xf32, #tpu.memory_space<hbm>>) dst(%dma_wait3A_187 : memref<200x64xf32, #tpu.memory_space<vmem>>)
      %sub3A_200 = arith.constant 2 : i32
      %sub3A_201 = arith.subi %add3A_166, %sub3A_200 : i32
      %ge3A_202 = arith.constant 2 : i32
      %ge3A_203 = arith.cmpi sge, %add3A_166, %ge3A_202 : i32
      %convert_element_type3A_204 = arith.extui %ge3A_203 : i1 to i32
      %cond3A_205 = arith.constant 0 : i32
      %cond3A_206 = arith.cmpi ne, %convert_element_type3A_204, %cond3A_205 : i32
      scf.if %cond3A_206 {
        %jit3A_251 = arith.constant 3 : i32
        %eq3A_252 = arith.constant 0 : i32
        %eq3A_253 = arith.cmpi eq, %jit3A_251, %eq3A_252 : i32
        %jit3A_254 = arith.constant 1 : i32
        %select_n3A_255 = arith.select %eq3A_253, %jit3A_254, %jit3A_251 : i32
        %rem3A_256 = arith.remsi %sub3A_201, %select_n3A_255 : i32
        %ne3A_257 = arith.constant 0 : i32
        %ne3A_258 = arith.cmpi ne, %rem3A_256, %ne3A_257 : i32
        %lt3A_259 = arith.constant 0 : i32
        %lt3A_260 = arith.cmpi slt, %rem3A_256, %lt3A_259 : i32
        %lt3A_261 = arith.constant 0 : i32
        %lt3A_262 = arith.cmpi slt, %select_n3A_255, %lt3A_261 : i32
        %ne3A_263 = arith.xori %lt3A_260, %lt3A_262 : i1
        %and3A_264 = arith.andi %ne3A_263, %ne3A_258 : i1
        %add3A_265 = arith.addi %rem3A_256, %select_n3A_255 : i32
        %select_n3A_266 = arith.select %and3A_264, %add3A_265, %rem3A_256 : i32
        %dma_wait3A_267 = arith.constant 1 : i32
        %dma_wait3A_268 = arith.constant 0 : i32
        %dma_wait3A_269 = arith.constant 0 : i32
        %dma_wait3A_270 = tpu.memref_slice %arg13[%select_n3A_266, %dma_wait3A_268, %dma_wait3A_269] : memref<3x200x64xf32, #tpu.memory_space<vmem>> -> memref<1x200x64xf32, #tpu.memory_space<vmem>>
        %dma_wait3A_271 = tpu.memref_squeeze %dma_wait3A_270 : memref<1x200x64xf32, #tpu.memory_space<vmem>> -> memref<200x64xf32, #tpu.memory_space<vmem>>
        %dma_wait3A_272 = arith.constant 0 : i32
        %dma_wait3A_273 = tpu.memref_slice %arg12[%sub3A_201, %dma_wait3A_272] : memref<100x200xi32, #tpu.memory_space<vmem>> -> memref<1x200xi32, #tpu.memory_space<vmem>>
        %dma_wait3A_274 = tpu.memref_squeeze %dma_wait3A_273 : memref<1x200xi32, #tpu.memory_space<vmem>> -> memref<200xi32, #tpu.memory_space<vmem>>
        %dma_wait3A_275 = arith.constant 0 : i32
        %dma_wait3A_276 = arith.constant 0 : i32
        %dma_wait3A_277 = tpu.memref_slice %arg10[%dma_wait3A_275, %dma_wait3A_276] : memref<10240x64xf32, #tpu.memory_space<vmem_shared>> -> memref<10240x64xf32, #tpu.memory_space<vmem_shared>>
        %dma_wait3A_278 = tpu.memref_slice %arg15[%dma_wait3A_267] : memref<2x!tpu.dma_semaphore, #tpu.memory_space<semaphore_mem>> -> memref<1x!tpu.dma_semaphore, #tpu.memory_space<semaphore_mem>>
        %dma_wait3A_279 = tpu.memref_squeeze %dma_wait3A_278 : memref<1x!tpu.dma_semaphore, #tpu.memory_space<semaphore_mem>> -> memref<!tpu.dma_semaphore, #tpu.memory_space<semaphore_mem>>
        tpu.wait_indirect_dma semaphore(%dma_wait3A_279 : memref<!tpu.dma_semaphore, #tpu.memory_space<semaphore_mem>>) src(%dma_wait3A_271 : memref<200x64xf32, #tpu.memory_space<vmem>>) dst(%dma_wait3A_277 : memref<10240x64xf32, #tpu.memory_space<vmem_shared>>)
        %dma_wait3A_280 = arith.constant 1 : i32
        %dma_wait3A_281 = arith.constant 0 : i32
        %dma_wait3A_282 = tpu.memref_slice %arg12[%sub3A_201, %dma_wait3A_281] : memref<100x200xi32, #tpu.memory_space<vmem>> -> memref<1x200xi32, #tpu.memory_space<vmem>>
        %dma_wait3A_283 = tpu.memref_squeeze %dma_wait3A_282 : memref<1x200xi32, #tpu.memory_space<vmem>> -> memref<200xi32, #tpu.memory_space<vmem>>
        %dma_wait3A_284 = arith.constant 0 : i32
        %dma_wait3A_285 = tpu.memref_slice %arg16[%dma_wait3A_284] : memref<10240xf32, #tpu.memory_space<vmem_shared>> -> memref<10240xf32, #tpu.memory_space<vmem_shared>>
        %dma_wait3A_286 = tpu.memref_slice %arg18[%dma_wait3A_280] : memref<2x!tpu.dma_semaphore, #tpu.memory_space<semaphore_mem>> -> memref<1x!tpu.dma_semaphore, #tpu.memory_space<semaphore_mem>>
        %dma_wait3A_287 = tpu.memref_squeeze %dma_wait3A_286 : memref<1x!tpu.dma_semaphore, #tpu.memory_space<semaphore_mem>> -> memref<!tpu.dma_semaphore, #tpu.memory_space<semaphore_mem>>
        tpu.wait_indirect_dma semaphore(%dma_wait3A_287 : memref<!tpu.dma_semaphore, #tpu.memory_space<semaphore_mem>>) src(%arg17 : memref<200xf32, #tpu.memory_space<vmem>>) dst(%dma_wait3A_285 : memref<10240xf32, #tpu.memory_space<vmem_shared>>)
      } else {
      }
      %jit3A_207 = arith.constant 3 : i32
      %eq3A_208 = arith.constant 0 : i32
      %eq3A_209 = arith.cmpi eq, %jit3A_207, %eq3A_208 : i32
      %jit3A_210 = arith.constant 1 : i32
      %select_n3A_211 = arith.select %eq3A_209, %jit3A_210, %jit3A_207 : i32
      %rem3A_212 = arith.remsi %add3A_166, %select_n3A_211 : i32
      %ne3A_213 = arith.constant 0 : i32
      %ne3A_214 = arith.cmpi ne, %rem3A_212, %ne3A_213 : i32
      %lt3A_215 = arith.constant 0 : i32
      %lt3A_216 = arith.cmpi slt, %rem3A_212, %lt3A_215 : i32
      %lt3A_217 = arith.constant 0 : i32
      %lt3A_218 = arith.cmpi slt, %select_n3A_211, %lt3A_217 : i32
      %ne3A_219 = arith.xori %lt3A_216, %lt3A_218 : i1
      %and3A_220 = arith.andi %ne3A_219, %ne3A_214 : i1
      %add3A_221 = arith.addi %rem3A_212, %select_n3A_211 : i32
      %select_n3A_222 = arith.select %and3A_220, %add3A_221, %rem3A_212 : i32
      %dma_start3A_223 = arith.constant 1 : i32
      %dma_start3A_224 = arith.constant 0 : i32
      %dma_start3A_225 = arith.constant 0 : i32
      %dma_start3A_226 = tpu.memref_slice %arg13[%select_n3A_222, %dma_start3A_224, %dma_start3A_225] : memref<3x200x64xf32, #tpu.memory_space<vmem>> -> memref<1x200x64xf32, #tpu.memory_space<vmem>>
      %dma_start3A_227 = tpu.memref_squeeze %dma_start3A_226 : memref<1x200x64xf32, #tpu.memory_space<vmem>> -> memref<200x64xf32, #tpu.memory_space<vmem>>
      %dma_start3A_228 = arith.constant 0 : i32
      %dma_start3A_229 = tpu.memref_slice %arg12[%add3A_166, %dma_start3A_228] : memref<100x200xi32, #tpu.memory_space<vmem>> -> memref<1x200xi32, #tpu.memory_space<vmem>>
      %dma_start3A_230 = tpu.memref_squeeze %dma_start3A_229 : memref<1x200xi32, #tpu.memory_space<vmem>> -> memref<200xi32, #tpu.memory_space<vmem>>
      %dma_start3A_231 = arith.constant 0 : i32
      %dma_start3A_232 = arith.constant 0 : i32
      %dma_start3A_233 = tpu.memref_slice %arg10[%dma_start3A_231, %dma_start3A_232] : memref<10240x64xf32, #tpu.memory_space<vmem_shared>> -> memref<10240x64xf32, #tpu.memory_space<vmem_shared>>
      %dma_start3A_234 = tpu.memref_slice %arg15[%dma_start3A_223] : memref<2x!tpu.dma_semaphore, #tpu.memory_space<semaphore_mem>> -> memref<1x!tpu.dma_semaphore, #tpu.memory_space<semaphore_mem>>
      %dma_start3A_235 = tpu.memref_squeeze %dma_start3A_234 : memref<1x!tpu.dma_semaphore, #tpu.memory_space<semaphore_mem>> -> memref<!tpu.dma_semaphore, #tpu.memory_space<semaphore_mem>>
      tpu.enqueue_indirect_dma source(%dma_start3A_227 : memref<200x64xf32, #tpu.memory_space<vmem>>) target(%dma_start3A_233 : memref<10240x64xf32, #tpu.memory_space<vmem_shared>>) offsets(%dma_start3A_230 : memref<200xi32, #tpu.memory_space<vmem>>) semaphore(%dma_start3A_235 : memref<!tpu.dma_semaphore, #tpu.memory_space<semaphore_mem>>) {add = true}
      %dma_start3A_236 = arith.constant 1 : i32
      %dma_start3A_237 = arith.constant 0 : i32
      %dma_start3A_238 = tpu.memref_slice %arg12[%add3A_166, %dma_start3A_237] : memref<100x200xi32, #tpu.memory_space<vmem>> -> memref<1x200xi32, #tpu.memory_space<vmem>>
      %dma_start3A_239 = tpu.memref_squeeze %dma_start3A_238 : memref<1x200xi32, #tpu.memory_space<vmem>> -> memref<200xi32, #tpu.memory_space<vmem>>
      %dma_start3A_240 = arith.constant 0 : i32
      %dma_start3A_241 = tpu.memref_slice %arg16[%dma_start3A_240] : memref<10240xf32, #tpu.memory_space<vmem_shared>> -> memref<10240xf32, #tpu.memory_space<vmem_shared>>
      %dma_start3A_242 = tpu.memref_slice %arg18[%dma_start3A_236] : memref<2x!tpu.dma_semaphore, #tpu.memory_space<semaphore_mem>> -> memref<1x!tpu.dma_semaphore, #tpu.memory_space<semaphore_mem>>
      %dma_start3A_243 = tpu.memref_squeeze %dma_start3A_242 : memref<1x!tpu.dma_semaphore, #tpu.memory_space<semaphore_mem>> -> memref<!tpu.dma_semaphore, #tpu.memory_space<semaphore_mem>>
      tpu.enqueue_indirect_dma source(%arg17 : memref<200xf32, #tpu.memory_space<vmem>>) target(%dma_start3A_241 : memref<10240xf32, #tpu.memory_space<vmem_shared>>) offsets(%dma_start3A_239 : memref<200xi32, #tpu.memory_space<vmem>>) semaphore(%dma_start3A_243 : memref<!tpu.dma_semaphore, #tpu.memory_space<semaphore_mem>>) {add = true}
      %add3A_244 = arith.constant 1 : i32
      %add3A_245 = arith.addi %add3A_166, %add3A_244 : i32
      %lt3A_246 = arith.constant 100 : i32
      %lt3A_247 = arith.cmpi slt, %add3A_245, %lt3A_246 : i32
      %convert_element_type3A_248 = arith.extui %lt3A_247 : i1 to i32
      %cond3A_249 = arith.constant 0 : i32
      %cond3A_250 = arith.cmpi ne, %convert_element_type3A_248, %cond3A_249 : i32
      scf.if %cond3A_250 {
        %add3A_251 = arith.constant 1 : i32
        %add3A_252 = arith.addi %add3A_166, %add3A_251 : i32
        %jit3A_253 = arith.constant 3 : i32
        %eq3A_254 = arith.constant 0 : i32
        %eq3A_255 = arith.cmpi eq, %jit3A_253, %eq3A_254 : i32
        %jit3A_256 = arith.constant 1 : i32
        %select_n3A_257 = arith.select %eq3A_255, %jit3A_256, %jit3A_253 : i32
        %rem3A_258 = arith.remsi %add3A_252, %select_n3A_257 : i32
        %ne3A_259 = arith.constant 0 : i32
        %ne3A_260 = arith.cmpi ne, %rem3A_258, %ne3A_259 : i32
        %lt3A_261 = arith.constant 0 : i32
        %lt3A_262 = arith.cmpi slt, %rem3A_258, %lt3A_261 : i32
        %lt3A_263 = arith.constant 0 : i32
        %lt3A_264 = arith.cmpi slt, %select_n3A_257, %lt3A_263 : i32
        %ne3A_265 = arith.xori %lt3A_262, %lt3A_264 : i1
        %and3A_266 = arith.andi %ne3A_265, %ne3A_260 : i1
        %add3A_267 = arith.addi %rem3A_258, %select_n3A_257 : i32
        %select_n3A_268 = arith.select %and3A_266, %add3A_267, %rem3A_258 : i32
        %dma_start3A_269 = arith.constant 0 : i32
        %dma_start3A_270 = arith.constant 0 : i32
        %dma_start3A_271 = arith.constant 0 : i32
        %dma_start3A_272 = tpu.memref_slice %arg13[%select_n3A_268, %dma_start3A_270, %dma_start3A_271] : memref<3x200x64xf32, #tpu.memory_space<vmem>> -> memref<1x200x64xf32, #tpu.memory_space<vmem>>
        %dma_start3A_273 = tpu.memref_squeeze %dma_start3A_272 : memref<1x200x64xf32, #tpu.memory_space<vmem>> -> memref<200x64xf32, #tpu.memory_space<vmem>>
        %dma_start3A_274 = arith.constant 0 : i32
        %dma_start3A_275 = tpu.memref_slice %arg11[%add3A_252, %dma_start3A_274] : memref<100x200xi32, #tpu.memory_space<vmem>> -> memref<1x200xi32, #tpu.memory_space<vmem>>
        %dma_start3A_276 = tpu.memref_squeeze %dma_start3A_275 : memref<1x200xi32, #tpu.memory_space<vmem>> -> memref<200xi32, #tpu.memory_space<vmem>>
        %dma_start3A_277 = arith.constant 0 : i32
        %dma_start3A_278 = arith.constant 0 : i32
        %dma_start3A_279 = tpu.memref_slice %arg2[%arg0, %dma_start3A_277, %dma_start3A_278] : memref<2x10000x64xf32, #tpu.memory_space<hbm>> -> memref<1x10000x64xf32, #tpu.memory_space<hbm>>
        %dma_start3A_280 = tpu.memref_squeeze %dma_start3A_279 : memref<1x10000x64xf32, #tpu.memory_space<hbm>> -> memref<10000x64xf32, #tpu.memory_space<hbm>>
        %dma_start3A_281 = arith.constant 0 : i32
        %dma_start3A_282 = arith.constant 0 : i32
        %dma_start3A_283 = tpu.memref_slice %dma_start3A_280[%dma_start3A_281, %dma_start3A_282] : memref<10000x64xf32, #tpu.memory_space<hbm>> -> memref<10000x64xf32, #tpu.memory_space<hbm>>
        %dma_start3A_284 = tpu.memref_slice %arg14[%dma_start3A_269] : memref<2x!tpu.dma_semaphore, #tpu.memory_space<semaphore_mem>> -> memref<1x!tpu.dma_semaphore, #tpu.memory_space<semaphore_mem>>
        %dma_start3A_285 = tpu.memref_squeeze %dma_start3A_284 : memref<1x!tpu.dma_semaphore, #tpu.memory_space<semaphore_mem>> -> memref<!tpu.dma_semaphore, #tpu.memory_space<semaphore_mem>>
        tpu.enqueue_indirect_dma source(%dma_start3A_283 : memref<10000x64xf32, #tpu.memory_space<hbm>>) target(%dma_start3A_273 : memref<200x64xf32, #tpu.memory_space<vmem>>) offsets(%dma_start3A_276 : memref<200xi32, #tpu.memory_space<vmem>>) semaphore(%dma_start3A_285 : memref<!tpu.dma_semaphore, #tpu.memory_space<semaphore_mem>>)
      } else {
      }
    }
    %scan3A_29 = arith.constant 50 : i32
    %dma_wait3A = arith.constant 2 : i32
    %dma_wait3A_30 = arith.constant 98 : i32
    %dma_wait3A_31 = arith.constant 0 : i32
    %dma_wait3A_32 = arith.constant 0 : i32
    %dma_wait3A_33 = arith.constant 0 : i32
    %dma_wait3A_34 = tpu.memref_slice %arg13[%dma_wait3A, %dma_wait3A_32, %dma_wait3A_33] : memref<3x200x64xf32, #tpu.memory_space<vmem>> -> memref<1x200x64xf32, #tpu.memory_space<vmem>>
    %dma_wait3A_35 = tpu.memref_squeeze %dma_wait3A_34 : memref<1x200x64xf32, #tpu.memory_space<vmem>> -> memref<200x64xf32, #tpu.memory_space<vmem>>
    %dma_wait3A_36 = arith.constant 0 : i32
    %dma_wait3A_37 = tpu.memref_slice %arg12[%dma_wait3A_30, %dma_wait3A_36] : memref<100x200xi32, #tpu.memory_space<vmem>> -> memref<1x200xi32, #tpu.memory_space<vmem>>
    %dma_wait3A_38 = tpu.memref_squeeze %dma_wait3A_37 : memref<1x200xi32, #tpu.memory_space<vmem>> -> memref<200xi32, #tpu.memory_space<vmem>>
    %dma_wait3A_39 = arith.constant 0 : i32
    %dma_wait3A_40 = arith.constant 0 : i32
    %dma_wait3A_41 = tpu.memref_slice %arg10[%dma_wait3A_39, %dma_wait3A_40] : memref<10240x64xf32, #tpu.memory_space<vmem_shared>> -> memref<10240x64xf32, #tpu.memory_space<vmem_shared>>
    %dma_wait3A_42 = tpu.memref_slice %arg15[%dma_wait3A_31] : memref<2x!tpu.dma_semaphore, #tpu.memory_space<semaphore_mem>> -> memref<1x!tpu.dma_semaphore, #tpu.memory_space<semaphore_mem>>
    %dma_wait3A_43 = tpu.memref_squeeze %dma_wait3A_42 : memref<1x!tpu.dma_semaphore, #tpu.memory_space<semaphore_mem>> -> memref<!tpu.dma_semaphore, #tpu.memory_space<semaphore_mem>>
    tpu.wait_indirect_dma semaphore(%dma_wait3A_43 : memref<!tpu.dma_semaphore, #tpu.memory_space<semaphore_mem>>) src(%dma_wait3A_35 : memref<200x64xf32, #tpu.memory_space<vmem>>) dst(%dma_wait3A_41 : memref<10240x64xf32, #tpu.memory_space<vmem_shared>>)
    %dma_wait3A_44 = arith.constant 98 : i32
    %dma_wait3A_45 = arith.constant 0 : i32
    %dma_wait3A_46 = arith.constant 0 : i32
    %dma_wait3A_47 = tpu.memref_slice %arg12[%dma_wait3A_44, %dma_wait3A_46] : memref<100x200xi32, #tpu.memory_space<vmem>> -> memref<1x200xi32, #tpu.memory_space<vmem>>
    %dma_wait3A_48 = tpu.memref_squeeze %dma_wait3A_47 : memref<1x200xi32, #tpu.memory_space<vmem>> -> memref<200xi32, #tpu.memory_space<vmem>>
    %dma_wait3A_49 = arith.constant 0 : i32
    %dma_wait3A_50 = tpu.memref_slice %arg16[%dma_wait3A_49] : memref<10240xf32, #tpu.memory_space<vmem_shared>> -> memref<10240xf32, #tpu.memory_space<vmem_shared>>
    %dma_wait3A_51 = tpu.memref_slice %arg18[%dma_wait3A_45] : memref<2x!tpu.dma_semaphore, #tpu.memory_space<semaphore_mem>> -> memref<1x!tpu.dma_semaphore, #tpu.memory_space<semaphore_mem>>
    %dma_wait3A_52 = tpu.memref_squeeze %dma_wait3A_51 : memref<1x!tpu.dma_semaphore, #tpu.memory_space<semaphore_mem>> -> memref<!tpu.dma_semaphore, #tpu.memory_space<semaphore_mem>>
    tpu.wait_indirect_dma semaphore(%dma_wait3A_52 : memref<!tpu.dma_semaphore, #tpu.memory_space<semaphore_mem>>) src(%arg17 : memref<200xf32, #tpu.memory_space<vmem>>) dst(%dma_wait3A_50 : memref<10240xf32, #tpu.memory_space<vmem_shared>>)
    %dma_wait3A_53 = arith.constant 0 : i32
    %dma_wait3A_54 = arith.constant 99 : i32
    %dma_wait3A_55 = arith.constant 1 : i32
    %dma_wait3A_56 = arith.constant 0 : i32
    %dma_wait3A_57 = arith.constant 0 : i32
    %dma_wait3A_58 = tpu.memref_slice %arg13[%dma_wait3A_53, %dma_wait3A_56, %dma_wait3A_57] : memref<3x200x64xf32, #tpu.memory_space<vmem>> -> memref<1x200x64xf32, #tpu.memory_space<vmem>>
    %dma_wait3A_59 = tpu.memref_squeeze %dma_wait3A_58 : memref<1x200x64xf32, #tpu.memory_space<vmem>> -> memref<200x64xf32, #tpu.memory_space<vmem>>
    %dma_wait3A_60 = arith.constant 0 : i32
    %dma_wait3A_61 = tpu.memref_slice %arg12[%dma_wait3A_54, %dma_wait3A_60] : memref<100x200xi32, #tpu.memory_space<vmem>> -> memref<1x200xi32, #tpu.memory_space<vmem>>
    %dma_wait3A_62 = tpu.memref_squeeze %dma_wait3A_61 : memref<1x200xi32, #tpu.memory_space<vmem>> -> memref<200xi32, #tpu.memory_space<vmem>>
    %dma_wait3A_63 = arith.constant 0 : i32
    %dma_wait3A_64 = arith.constant 0 : i32
    %dma_wait3A_65 = tpu.memref_slice %arg10[%dma_wait3A_63, %dma_wait3A_64] : memref<10240x64xf32, #tpu.memory_space<vmem_shared>> -> memref<10240x64xf32, #tpu.memory_space<vmem_shared>>
    %dma_wait3A_66 = tpu.memref_slice %arg15[%dma_wait3A_55] : memref<2x!tpu.dma_semaphore, #tpu.memory_space<semaphore_mem>> -> memref<1x!tpu.dma_semaphore, #tpu.memory_space<semaphore_mem>>
    %dma_wait3A_67 = tpu.memref_squeeze %dma_wait3A_66 : memref<1x!tpu.dma_semaphore, #tpu.memory_space<semaphore_mem>> -> memref<!tpu.dma_semaphore, #tpu.memory_space<semaphore_mem>>
    tpu.wait_indirect_dma semaphore(%dma_wait3A_67 : memref<!tpu.dma_semaphore, #tpu.memory_space<semaphore_mem>>) src(%dma_wait3A_59 : memref<200x64xf32, #tpu.memory_space<vmem>>) dst(%dma_wait3A_65 : memref<10240x64xf32, #tpu.memory_space<vmem_shared>>)
    %dma_wait3A_68 = arith.constant 99 : i32
    %dma_wait3A_69 = arith.constant 1 : i32
    %dma_wait3A_70 = arith.constant 0 : i32
    %dma_wait3A_71 = tpu.memref_slice %arg12[%dma_wait3A_68, %dma_wait3A_70] : memref<100x200xi32, #tpu.memory_space<vmem>> -> memref<1x200xi32, #tpu.memory_space<vmem>>
    %dma_wait3A_72 = tpu.memref_squeeze %dma_wait3A_71 : memref<1x200xi32, #tpu.memory_space<vmem>> -> memref<200xi32, #tpu.memory_space<vmem>>
    %dma_wait3A_73 = arith.constant 0 : i32
    %dma_wait3A_74 = tpu.memref_slice %arg16[%dma_wait3A_73] : memref<10240xf32, #tpu.memory_space<vmem_shared>> -> memref<10240xf32, #tpu.memory_space<vmem_shared>>
    %dma_wait3A_75 = tpu.memref_slice %arg18[%dma_wait3A_69] : memref<2x!tpu.dma_semaphore, #tpu.memory_space<semaphore_mem>> -> memref<1x!tpu.dma_semaphore, #tpu.memory_space<semaphore_mem>>
    %dma_wait3A_76 = tpu.memref_squeeze %dma_wait3A_75 : memref<1x!tpu.dma_semaphore, #tpu.memory_space<semaphore_mem>> -> memref<!tpu.dma_semaphore, #tpu.memory_space<semaphore_mem>>
    tpu.wait_indirect_dma semaphore(%dma_wait3A_76 : memref<!tpu.dma_semaphore, #tpu.memory_space<semaphore_mem>>) src(%arg17 : memref<200xf32, #tpu.memory_space<vmem>>) dst(%dma_wait3A_74 : memref<10240xf32, #tpu.memory_space<vmem_shared>>)
    %barrier3A_77 = arith.constant 0 : index
    tpu.barrier barrier_id(%barrier3A_77)
    %mul3A_78 = arith.constant 640 : i32
    %mul3A_79 = arith.muli %arg1, %mul3A_78 : i32
    %mul3A_80 = arith.constant 640 : i32
    %mul3A_81 = arith.muli %arg1, %mul3A_80 : i32
    "tpu.region"() ({
      %run_scoped3A = tpu.sem_alloc : memref<!tpu.dma_semaphore, #tpu.memory_space<semaphore_mem>>
      %dma_start3A_86 = arith.constant 0 : i32
      %dma_start3A_87 = arith.constant 0 : i32
      %dma_start3A_88 = tpu.memref_slice %arg8[%arg0, %dma_start3A_86, %dma_start3A_87] : memref<2x10240x64xf32, #tpu.memory_space<hbm>> -> memref<1x10240x64xf32, #tpu.memory_space<hbm>>
      %dma_start3A_89 = tpu.memref_squeeze %dma_start3A_88 : memref<1x10240x64xf32, #tpu.memory_space<hbm>> -> memref<10240x64xf32, #tpu.memory_space<hbm>>
      %dma_start3A_90 = arith.constant 0 : i32
      %dma_start3A_91 = tpu.memref_slice %dma_start3A_89[%mul3A_81, %dma_start3A_90] : memref<10240x64xf32, #tpu.memory_space<hbm>> -> memref<640x64xf32, #tpu.memory_space<hbm>>
      %dma_start3A_92 = arith.constant 0 : i32
      %dma_start3A_93 = tpu.memref_slice %arg10[%mul3A_79, %dma_start3A_92] : memref<10240x64xf32, #tpu.memory_space<vmem_shared>> -> memref<640x64xf32, #tpu.memory_space<vmem_shared>>
      tpu.enqueue_dma source(%dma_start3A_93 : memref<640x64xf32, #tpu.memory_space<vmem_shared>>) target(%dma_start3A_91 : memref<640x64xf32, #tpu.memory_space<hbm>>) target_semaphore(%run_scoped3A : memref<!tpu.dma_semaphore, #tpu.memory_space<semaphore_mem>>)
      %dma_wait3A_94 = arith.constant 0 : i32
      %dma_wait3A_95 = arith.constant 0 : i32
      %dma_wait3A_96 = tpu.memref_slice %arg8[%arg0, %dma_wait3A_94, %dma_wait3A_95] : memref<2x10240x64xf32, #tpu.memory_space<hbm>> -> memref<1x10240x64xf32, #tpu.memory_space<hbm>>
      %dma_wait3A_97 = tpu.memref_squeeze %dma_wait3A_96 : memref<1x10240x64xf32, #tpu.memory_space<hbm>> -> memref<10240x64xf32, #tpu.memory_space<hbm>>
      %dma_wait3A_98 = arith.constant 0 : i32
      %dma_wait3A_99 = tpu.memref_slice %dma_wait3A_97[%mul3A_81, %dma_wait3A_98] : memref<10240x64xf32, #tpu.memory_space<hbm>> -> memref<640x64xf32, #tpu.memory_space<hbm>>
      %dma_wait3A_100 = arith.constant 0 : i32
      %dma_wait3A_101 = tpu.memref_slice %arg10[%mul3A_79, %dma_wait3A_100] : memref<10240x64xf32, #tpu.memory_space<vmem_shared>> -> memref<640x64xf32, #tpu.memory_space<vmem_shared>>
      tpu.wait_dma2 semaphore(%run_scoped3A : memref<!tpu.dma_semaphore, #tpu.memory_space<semaphore_mem>>) src(%dma_wait3A_101 : memref<640x64xf32, #tpu.memory_space<vmem_shared>>) dst(%dma_wait3A_99 : memref<640x64xf32, #tpu.memory_space<hbm>>)
      tpu.yield
    }) : () -> ()
    %mul3A_82 = arith.constant 640 : i32
    %mul3A_83 = arith.muli %arg1, %mul3A_82 : i32
    %mul3A_84 = arith.constant 640 : i32
    %mul3A_85 = arith.muli %arg1, %mul3A_84 : i32
    "tpu.region"() ({
      %run_scoped3A = tpu.sem_alloc : memref<!tpu.dma_semaphore, #tpu.memory_space<semaphore_mem>>
      %dma_start3A_86 = arith.constant 0 : i32
      %dma_start3A_87 = tpu.memref_slice %arg9[%arg0, %dma_start3A_86] : memref<2x10240xf32, #tpu.memory_space<hbm>> -> memref<1x10240xf32, #tpu.memory_space<hbm>>
      %dma_start3A_88 = tpu.memref_squeeze %dma_start3A_87 : memref<1x10240xf32, #tpu.memory_space<hbm>> -> memref<10240xf32, #tpu.memory_space<hbm>>
      %dma_start3A_89 = tpu.memref_slice %dma_start3A_88[%mul3A_85] : memref<10240xf32, #tpu.memory_space<hbm>> -> memref<640xf32, #tpu.memory_space<hbm>>
      %dma_start3A_90 = tpu.memref_slice %arg16[%mul3A_83] : memref<10240xf32, #tpu.memory_space<vmem_shared>> -> memref<640xf32, #tpu.memory_space<vmem_shared>>
      tpu.enqueue_dma source(%dma_start3A_90 : memref<640xf32, #tpu.memory_space<vmem_shared>>) target(%dma_start3A_89 : memref<640xf32, #tpu.memory_space<hbm>>) target_semaphore(%run_scoped3A : memref<!tpu.dma_semaphore, #tpu.memory_space<semaphore_mem>>)
      %dma_wait3A_91 = arith.constant 0 : i32
      %dma_wait3A_92 = tpu.memref_slice %arg9[%arg0, %dma_wait3A_91] : memref<2x10240xf32, #tpu.memory_space<hbm>> -> memref<1x10240xf32, #tpu.memory_space<hbm>>
      %dma_wait3A_93 = tpu.memref_squeeze %dma_wait3A_92 : memref<1x10240xf32, #tpu.memory_space<hbm>> -> memref<10240xf32, #tpu.memory_space<hbm>>
      %dma_wait3A_94 = tpu.memref_slice %dma_wait3A_93[%mul3A_85] : memref<10240xf32, #tpu.memory_space<hbm>> -> memref<640xf32, #tpu.memory_space<hbm>>
      %dma_wait3A_95 = tpu.memref_slice %arg16[%mul3A_83] : memref<10240xf32, #tpu.memory_space<vmem_shared>> -> memref<640xf32, #tpu.memory_space<vmem_shared>>
      tpu.wait_dma2 semaphore(%run_scoped3A : memref<!tpu.dma_semaphore, #tpu.memory_space<semaphore_mem>>) src(%dma_wait3A_95 : memref<640xf32, #tpu.memory_space<vmem_shared>>) dst(%dma_wait3A_94 : memref<640xf32, #tpu.memory_space<hbm>>)
      tpu.yield
    }) : () -> ()
    return
  }
}

module attributes {stable_mosaic.version = 14 : i64} {
  func.func @_tc1_body(%arg0: i32, %arg1: memref<400x128xf32, #tpu.memory_space<vmem>>, %arg2: memref<2x400x64xf32, #tpu.memory_space<vmem>>, %arg3: memref<2x400x1xf32, #tpu.memory_space<vmem>>, %arg4: memref<128x128xf32, #tpu.memory_space<vmem>>, %arg5: memref<128x128xf32, #tpu.memory_space<vmem>>, %arg6: memref<1x128xf32, #tpu.memory_space<vmem>>, %arg7: memref<128x40xf32, #tpu.memory_space<vmem>>, %arg8: memref<128x40xf32, #tpu.memory_space<vmem>>, %arg9: memref<1x40xf32, #tpu.memory_space<vmem>>, %arg10: memref<400x64xf32, #tpu.memory_space<vmem>>, %arg11: memref<400x40xf32, #tpu.memory_space<vmem>>) attributes {dimension_semantics = [#tpu.dimension_semantics<arbitrary>], iteration_bounds = array<i64: 25>, scalar_prefetch = 0 : i64, scratch_operands = 0 : i64, tpu.core_type = #tpu.core_type<tc>, window_params = [{transform_indices = @transform_0, window_bounds = array<i64: 400, 128>}, {transform_indices = @transform_1, window_bounds = array<i64: 2, 400, 64>}, {transform_indices = @transform_2, window_bounds = array<i64: 2, 400, 1>}, {pipeline_mode = #tpu.pipeline_mode<synchronous>, transform_indices = @transform_3, window_bounds = array<i64: 128, 128>}, {pipeline_mode = #tpu.pipeline_mode<synchronous>, transform_indices = @transform_4, window_bounds = array<i64: 128, 128>}, {pipeline_mode = #tpu.pipeline_mode<synchronous>, transform_indices = @transform_5, window_bounds = array<i64: 1, 128>}, {pipeline_mode = #tpu.pipeline_mode<synchronous>, transform_indices = @transform_6, window_bounds = array<i64: 128, 40>}, {pipeline_mode = #tpu.pipeline_mode<synchronous>, transform_indices = @transform_7, window_bounds = array<i64: 128, 40>}, {pipeline_mode = #tpu.pipeline_mode<synchronous>, transform_indices = @transform_8, window_bounds = array<i64: 1, 40>}, {transform_indices = @transform_9, window_bounds = array<i64: 400, 64>}, {transform_indices = @transform_10, window_bounds = array<i64: 400, 40>}]} {
    %get3A = arith.constant 0 : index
    %get3A_0 = arith.constant 0 : index
    %get3A_1 = arith.constant 0 : index
    %get3A_2 = vector.load %arg2[%get3A, %get3A_0, %get3A_1] : memref<2x400x64xf32, #tpu.memory_space<vmem>>, vector<1x400x64xf32>
    %get3A_3 = vector.shape_cast %get3A_2 : vector<1x400x64xf32> to vector<400x64xf32>
    %get3A_4 = arith.constant 1 : index
    %get3A_5 = arith.constant 0 : index
    %get3A_6 = arith.constant 0 : index
    %get3A_7 = vector.load %arg2[%get3A_4, %get3A_5, %get3A_6] : memref<2x400x64xf32, #tpu.memory_space<vmem>>, vector<1x400x64xf32>
    %get3A_8 = vector.shape_cast %get3A_7 : vector<1x400x64xf32> to vector<400x64xf32>
    %concatenate3A = tpu.concatenate %get3A_3, %get3A_8 in 1 : vector<400x64xf32>, vector<400x64xf32> -> vector<400x128xf32>
    %get3A_9 = arith.constant 0 : index
    %get3A_10 = arith.constant 0 : index
    %get3A_11 = arith.constant 0 : index
    %get3A_12 = vector.load %arg3[%get3A_9, %get3A_10, %get3A_11] : memref<2x400x1xf32, #tpu.memory_space<vmem>>, vector<1x400x1xf32>
    %get3A_13 = vector.shape_cast %get3A_12 : vector<1x400x1xf32> to vector<400x1xf32>
    %max3A = arith.constant 1.000000e+00 : f32
    %max3A_14 = vector.broadcast %max3A : f32 to vector<400x1xf32>
    %max3A_15 = arith.maximumf %get3A_13, %max3A_14 : vector<400x1xf32>
    %div3A = vector.broadcast %max3A_15 : vector<400x1xf32> to vector<400x128xf32>
    %div3A_16 = arith.divf %concatenate3A, %div3A : vector<400x128xf32>
    %get3A_17 = arith.constant 0 : index
    %get3A_18 = arith.constant 0 : index
    %get3A_19 = vector.load %arg1[%get3A_17, %get3A_18] : memref<400x128xf32, #tpu.memory_space<vmem>>, vector<400x128xf32>
    %get3A_20 = arith.constant 0 : index
    %get3A_21 = arith.constant 0 : index
    %get3A_22 = vector.load %arg4[%get3A_20, %get3A_21] : memref<128x128xf32, #tpu.memory_space<vmem>>, vector<128x128xf32>
    %dot_general3A = arith.constant dense<0.000000e+00> : vector<400x128xf32>
    %dot_general3A_23 = tpu.matmul %get3A_19, %get3A_22, %dot_general3A {dimension_numbers = #tpu.dot_dimension_numbers<[1], [0], [0], [1], [0, 0, 1, 1], [], []>, transpose_lhs_hint = false} : vector<400x128xf32>, vector<128x128xf32>, vector<400x128xf32> -> vector<400x128xf32>
    %get3A_24 = arith.constant 0 : index
    %get3A_25 = arith.constant 0 : index
    %get3A_26 = vector.load %arg5[%get3A_24, %get3A_25] : memref<128x128xf32, #tpu.memory_space<vmem>>, vector<128x128xf32>
    %dot_general3A_27 = arith.constant dense<0.000000e+00> : vector<400x128xf32>
    %dot_general3A_28 = tpu.matmul %div3A_16, %get3A_26, %dot_general3A_27 {dimension_numbers = #tpu.dot_dimension_numbers<[1], [0], [0], [1], [0, 0, 1, 1], [], []>, transpose_lhs_hint = false} : vector<400x128xf32>, vector<128x128xf32>, vector<400x128xf32> -> vector<400x128xf32>
    %add3A = arith.addf %dot_general3A_23, %dot_general3A_28 : vector<400x128xf32>
    %get3A_29 = arith.constant 0 : index
    %get3A_30 = arith.constant 0 : index
    %get3A_31 = vector.load %arg6[%get3A_29, %get3A_30] : memref<1x128xf32, #tpu.memory_space<vmem>>, vector<1x128xf32>
    %add3A_32 = vector.broadcast %get3A_31 : vector<1x128xf32> to vector<400x128xf32>
    %add3A_33 = arith.addf %add3A, %add3A_32 : vector<400x128xf32>
    %max3A_34 = arith.constant 0.000000e+00 : f32
    %max3A_35 = vector.broadcast %max3A_34 : f32 to vector<400x128xf32>
    %max3A_36 = arith.maximumf %add3A_33, %max3A_35 : vector<400x128xf32>
    %get3A_37 = arith.constant 0 : index
    %get3A_38 = arith.constant 0 : index
    %get3A_39 = vector.load %arg7[%get3A_37, %get3A_38] : memref<128x40xf32, #tpu.memory_space<vmem>>, vector<128x40xf32>
    %dot_general3A_40 = arith.constant dense<0.000000e+00> : vector<400x40xf32>
    %dot_general3A_41 = tpu.matmul %max3A_36, %get3A_39, %dot_general3A_40 {dimension_numbers = #tpu.dot_dimension_numbers<[1], [0], [0], [1], [0, 0, 1, 1], [], []>, transpose_lhs_hint = false} : vector<400x128xf32>, vector<128x40xf32>, vector<400x40xf32> -> vector<400x40xf32>
    %broadcast_in_dim3A = arith.constant 0.000000e+00 : f32
    %broadcast_in_dim3A_42 = vector.broadcast %broadcast_in_dim3A : f32 to vector<400x24xf32>
    %concatenate3A_43 = tpu.concatenate %dot_general3A_41, %broadcast_in_dim3A_42 in 1 : vector<400x40xf32>, vector<400x24xf32> -> vector<400x64xf32>
    %swap3A = arith.constant 0 : index
    %swap3A_44 = arith.constant 0 : index
    %swap3A_45 = vector.load %arg10[%swap3A, %swap3A_44] : memref<400x64xf32, #tpu.memory_space<vmem>>, vector<400x64xf32>
    tpu.vector_store %arg10[%swap3A, %swap3A_44], %concatenate3A_43 {strides = array<i32>} : memref<400x64xf32, #tpu.memory_space<vmem>>, vector<400x64xf32>,
    %get3A_46 = arith.constant 0 : index
    %get3A_47 = arith.constant 0 : index
    %get3A_48 = vector.load %arg8[%get3A_46, %get3A_47] : memref<128x40xf32, #tpu.memory_space<vmem>>, vector<128x40xf32>
    %dot_general3A_49 = arith.constant dense<0.000000e+00> : vector<400x40xf32>
    %dot_general3A_50 = tpu.matmul %max3A_36, %get3A_48, %dot_general3A_49 {dimension_numbers = #tpu.dot_dimension_numbers<[1], [0], [0], [1], [0, 0, 1, 1], [], []>, transpose_lhs_hint = false} : vector<400x128xf32>, vector<128x40xf32>, vector<400x40xf32> -> vector<400x40xf32>
    %get3A_51 = arith.constant 0 : index
    %get3A_52 = arith.constant 0 : index
    %get3A_53 = vector.load %arg9[%get3A_51, %get3A_52] : memref<1x40xf32, #tpu.memory_space<vmem>>, vector<1x40xf32>
    %add3A_54 = vector.broadcast %get3A_53 : vector<1x40xf32> to vector<400x40xf32>
    %add3A_55 = arith.addf %dot_general3A_50, %add3A_54 : vector<400x40xf32>
    %swap3A_56 = arith.constant 0 : index
    %swap3A_57 = arith.constant 0 : index
    %swap3A_58 = vector.load %arg11[%swap3A_56, %swap3A_57] : memref<400x40xf32, #tpu.memory_space<vmem>>, vector<400x40xf32>
    tpu.vector_store %arg11[%swap3A_56, %swap3A_57], %add3A_55 {strides = array<i32>} : memref<400x40xf32, #tpu.memory_space<vmem>>, vector<400x40xf32>,
    return
  }
  func.func @transform_0(%arg0: i32) -> (i32, i32) {
    %c0_i32 = arith.constant 0 : i32
    %c0_i32_0 = arith.constant 0 : i32
    return %arg0, %c0_i32 : i32, i32
  }
  func.func @transform_1(%arg0: i32) -> (i32, i32, i32) {
    %c0_i32 = arith.constant 0 : i32
    %c0_i32_0 = arith.constant 0 : i32
    %c0_i32_1 = arith.constant 0 : i32
    return %c0_i32, %arg0, %c0_i32_0 : i32, i32, i32
  }
  func.func @transform_2(%arg0: i32) -> (i32, i32, i32) {
    %c0_i32 = arith.constant 0 : i32
    %c0_i32_0 = arith.constant 0 : i32
    %c0_i32_1 = arith.constant 0 : i32
    return %c0_i32, %arg0, %c0_i32_0 : i32, i32, i32
  }
  func.func @transform_3(%arg0: i32) -> (i32, i32) {
    %c0_i32 = arith.constant 0 : i32
    %c0_i32_0 = arith.constant 0 : i32
    %c0_i32_1 = arith.constant 0 : i32
    return %c0_i32, %c0_i32_0 : i32, i32
  }
  func.func @transform_4(%arg0: i32) -> (i32, i32) {
    %c0_i32 = arith.constant 0 : i32
    %c0_i32_0 = arith.constant 0 : i32
    %c0_i32_1 = arith.constant 0 : i32
    return %c0_i32, %c0_i32_0 : i32, i32
  }
  func.func @transform_5(%arg0: i32) -> (i32, i32) {
    %c0_i32 = arith.constant 0 : i32
    %c0_i32_0 = arith.constant 0 : i32
    %c0_i32_1 = arith.constant 0 : i32
    return %c0_i32, %c0_i32_0 : i32, i32
  }
  func.func @transform_6(%arg0: i32) -> (i32, i32) {
    %c0_i32 = arith.constant 0 : i32
    %c0_i32_0 = arith.constant 0 : i32
    %c0_i32_1 = arith.constant 0 : i32
    return %c0_i32, %c0_i32_0 : i32, i32
  }
  func.func @transform_7(%arg0: i32) -> (i32, i32) {
    %c0_i32 = arith.constant 0 : i32
    %c0_i32_0 = arith.constant 0 : i32
    %c0_i32_1 = arith.constant 0 : i32
    return %c0_i32, %c0_i32_0 : i32, i32
  }
  func.func @transform_8(%arg0: i32) -> (i32, i32) {
    %c0_i32 = arith.constant 0 : i32
    %c0_i32_0 = arith.constant 0 : i32
    %c0_i32_1 = arith.constant 0 : i32
    return %c0_i32, %c0_i32_0 : i32, i32
  }
  func.func @transform_9(%arg0: i32) -> (i32, i32) {
    %c0_i32 = arith.constant 0 : i32
    %c0_i32_0 = arith.constant 0 : i32
    return %arg0, %c0_i32 : i32, i32
  }
  func.func @transform_10(%arg0: i32) -> (i32, i32) {
    %c0_i32 = arith.constant 0 : i32
    %c0_i32_0 = arith.constant 0 : i32
    return %arg0, %c0_i32 : i32, i32
  }
}

module attributes {stable_mosaic.version = 14 : i64} {
  func.func @_tc2_body(%arg0: i32, %arg1: memref<400x40xf32, #tpu.memory_space<vmem>>, %arg2: memref<2x400x64xf32, #tpu.memory_space<vmem>>, %arg3: memref<2x400x1xf32, #tpu.memory_space<vmem>>, %arg4: memref<400x40xf32, #tpu.memory_space<vmem>>) attributes {dimension_semantics = [#tpu.dimension_semantics<arbitrary>], iteration_bounds = array<i64: 25>, scalar_prefetch = 0 : i64, scratch_operands = 0 : i64, tpu.core_type = #tpu.core_type<tc>, window_params = [{transform_indices = @transform_0, window_bounds = array<i64: 400, 40>}, {transform_indices = @transform_1, window_bounds = array<i64: 2, 400, 64>}, {transform_indices = @transform_2, window_bounds = array<i64: 2, 400, 1>}, {transform_indices = @transform_3, window_bounds = array<i64: 400, 40>}]} {
    %get3A = arith.constant 0 : index
    %get3A_0 = arith.constant 0 : index
    %get3A_1 = arith.constant 0 : index
    %get3A_2 = vector.load %arg3[%get3A, %get3A_0, %get3A_1] : memref<2x400x1xf32, #tpu.memory_space<vmem>>, vector<1x400x1xf32>
    %get3A_3 = vector.shape_cast %get3A_2 : vector<1x400x1xf32> to vector<400x1xf32>
    %max3A = arith.constant 1.000000e+00 : f32
    %max3A_4 = vector.broadcast %max3A : f32 to vector<400x1xf32>
    %max3A_5 = arith.maximumf %get3A_3, %max3A_4 : vector<400x1xf32>
    %get3A_6 = arith.constant 0 : index
    %get3A_7 = arith.constant 0 : index
    %get3A_8 = arith.constant 0 : index
    %get3A_9 = vector.load %arg2[%get3A_6, %get3A_7, %get3A_8] : memref<2x400x64xf32, #tpu.memory_space<vmem>>, vector<1x400x64xf32>
    %get3A_10 = vector.shape_cast %get3A_9 : vector<1x400x64xf32> to vector<400x64xf32>
    %get3A_11 = arith.constant 1 : index
    %get3A_12 = arith.constant 0 : index
    %get3A_13 = arith.constant 0 : index
    %get3A_14 = vector.load %arg2[%get3A_11, %get3A_12, %get3A_13] : memref<2x400x64xf32, #tpu.memory_space<vmem>>, vector<1x400x64xf32>
    %get3A_15 = vector.shape_cast %get3A_14 : vector<1x400x64xf32> to vector<400x64xf32>
    %add3A = arith.addf %get3A_10, %get3A_15 : vector<400x64xf32>
    %get3A_16 = arith.constant 0 : index
    %get3A_17 = arith.constant 0 : index
    %get3A_18 = vector.load %arg1[%get3A_16, %get3A_17] : memref<400x40xf32, #tpu.memory_space<vmem>>, vector<400x40xf32>
    %div3A = vector.broadcast %max3A_5 : vector<400x1xf32> to vector<400x64xf32>
    %div3A_19 = arith.divf %add3A, %div3A : vector<400x64xf32>
    %slice3A = vector.extract_strided_slice %div3A_19 {offsets = [0, 0], sizes = [400, 40], strides = [1, 1]} : vector<400x64xf32> to vector<400x40xf32>
    %add3A_20 = arith.addf %get3A_18, %slice3A : vector<400x40xf32>
    %reduce_max3A = arith.constant dense<0xFF800000> : vector<400xf32>
    %reduce_max3A_21 = vector.multi_reduction <maximumf>, %add3A_20, %reduce_max3A [1] : vector<400x40xf32> to vector<400xf32>
    %broadcast_in_dim3A = vector.shape_cast %reduce_max3A_21 : vector<400xf32> to vector<400x1xf32>
    %sub3A = vector.broadcast %broadcast_in_dim3A : vector<400x1xf32> to vector<400x40xf32>
    %sub3A_22 = arith.subf %add3A_20, %sub3A : vector<400x40xf32>
    %exp3A = math.exp %sub3A_22 : vector<400x40xf32>
    %reduce_sum3A = arith.constant dense<0.000000e+00> : vector<400xf32>
    %reduce_sum3A_23 = vector.multi_reduction <add>, %exp3A, %reduce_sum3A [1] : vector<400x40xf32> to vector<400xf32>
    %broadcast_in_dim3A_24 = vector.shape_cast %reduce_sum3A_23 : vector<400xf32> to vector<400x1xf32>
    %log3A = math.log %broadcast_in_dim3A_24 : vector<400x1xf32>
    %sub3A_25 = vector.broadcast %log3A : vector<400x1xf32> to vector<400x40xf32>
    %sub3A_26 = arith.subf %sub3A_22, %sub3A_25 : vector<400x40xf32>
    %swap3A = arith.constant 0 : index
    %swap3A_27 = arith.constant 0 : index
    %swap3A_28 = vector.load %arg4[%swap3A, %swap3A_27] : memref<400x40xf32, #tpu.memory_space<vmem>>, vector<400x40xf32>
    tpu.vector_store %arg4[%swap3A, %swap3A_27], %sub3A_26 {strides = array<i32>} : memref<400x40xf32, #tpu.memory_space<vmem>>, vector<400x40xf32>,
    return
  }
  func.func @transform_0(%arg0: i32) -> (i32, i32) {
    %c0_i32 = arith.constant 0 : i32
    %c0_i32_0 = arith.constant 0 : i32
    return %arg0, %c0_i32 : i32, i32
  }
  func.func @transform_1(%arg0: i32) -> (i32, i32, i32) {
    %c0_i32 = arith.constant 0 : i32
    %c0_i32_0 = arith.constant 0 : i32
    %c0_i32_1 = arith.constant 0 : i32
    return %c0_i32, %arg0, %c0_i32_0 : i32, i32, i32
  }
  func.func @transform_2(%arg0: i32) -> (i32, i32, i32) {
    %c0_i32 = arith.constant 0 : i32
    %c0_i32_0 = arith.constant 0 : i32
    %c0_i32_1 = arith.constant 0 : i32
    return %c0_i32, %arg0, %c0_i32_0 : i32, i32, i32
  }
  func.func @transform_3(%arg0: i32) -> (i32, i32) {
    %c0_i32 = arith.constant 0 : i32
    %c0_i32_0 = arith.constant 0 : i32
    return %arg0, %c0_i32 : i32, i32
  }
}

</mosaic_0001>

<sc_bundles>
// kernel: kernel.6.cloned.1.call-start
scs
__scs_entry_jumppad:
0x0: {  	(pc) =	sbr.rel $0x88, $3  }
0x1: {  	(tag) =	ssettag $0x0;
	lr =	simm.s32 $0x1  }
0x2: {  	[smem:$0x3F99] =	sst lr;
	_ =	strace $0xD0000000  }
0x3: {  	_ = 	snop  }
0x4: {  	_ = 	snop  }
0x5: {  	_ = 	snop  }
0x6: {  	_ = 	snop  }
0x7: {  	_ = 	snop  }
__scs_overlays_trampoline_lowered:
0x8: {  	[smem:$0x3FA8] =	sst s0  }
0x9: {  	[smem:$0x3FA9] =	sst s1  }
0xa: {  	[smem:$0x3FAA] =	sst s2  }
0xb: {  	[smem:$0x3FAB] =	sst s3  }
0xc: {  	[smem:$0x3FAC] =	sst s4  }
0xd: {  	[smem:$0x3FAD] =	sst s5  }
0xe: {  	[smem:$0x3FAE] =	sst s6  }
0xf: {  	[smem:$0x3FAF] =	sst s7  }
0x10: {  	[smem:$0x3FB0] =	sst s8  }
0x11: {  	[smem:$0x3FB1] =	sst s9;
	s0 =	simm.s32 @!p0 $0x0  }
0x12: {  	s1 =	sld [smem:$0x3F97];
	s0 =	simm.s32 @p0 $0x1  }
0x13: {  	[smem:$0x3FB2] =	sst s0;
	s0 =	simm.s32 @!p1 $0x0  }
0x14: {  	s2 =	sld [smem:$0x3F96];
	s0 =	simm.s32 @p1 $0x1  }
0x15: {  	[smem:$0x3FB3] =	sst s0;
	s0 =	simm.s32 @!p2 $0x0  }
0x16: {  	s3 =	sld [smem:$0x3FDB];
	s0 =	simm.s32 @p2 $0x1  }
0x17: {  	s4 =	simm.s32 $0x1BF5;
	[smem:$0x3FB5] =	sst s0  }
0x18: {  	s0 =	sld [smem:$0x3F98];
	_ =	swait.ge [sflag:s4], $0x0  }
0x19: {  	s7 =	sld [smem:$0x3F99]  }
0x1a: {  	s8 =	sadd.s32 $0xFFFFE003, lr  }
0x1b: {  	s9 =	sadd.s32 $0xFFFFFEF7, lr;
	s5 =	simm.s32 $0xFFFFFFFF;
	p2 =	slt.u32 s8, $0xFFFFF086  }
0x1c: {  	p1 =	slt.u32 s9, $0xF7A;
	s5 =	simm.s32 @!p2 $0x0  }
0x1d: {  	s5 =	simm.s32 @p1 $0x1;
	p0 =	seq.s32 s7, s2  }
0x1e: {  	s7 =	smul.u32 @!p0 $0xF7A, s2;
	p2 =	seq.s32 @!p0 s5, $0x0  }
0x1f: {  	s9 =	smul.u32 $0xF7A, s1;
	s8 =	simm.s32 @!p0 $0x1BF5;
	p2 =	por !p2, p0  }
0x20: {  	[sflag:s8] =	ssyncset.s32 @!p0 $0xFFFFF086;
	s6 =	sadd.s32 @!p0 s3, s7;
	s7 =	simm.s32 @!p0 $0x108  }
0x21: {  	s3 =	sadd.s32 s3, s9;
	s6 =	sadd.s32 @!p0 $0x88, s6;
	s7 =	simm.s32 @p2 $0x1082  }
0x22: {  	[simem:s7], [sflag:s8] =	dma.local @!p0 [hbm:s6], $0xF7A  }
0x23: {  	s9 =	sor.u32 $0xD0000000, s2;
	s6 =	simm.s32 $0x108;
	_ =	swait.ge @!p0 [sflag:s8], $0x0  }
0x24: {  	s3 =	sadd.s32 $0x88, s3;
	s6 =	simm.s32 @!p1 $0x1082;
	[sflag:s4] =	ssyncset.s32 $0xFFFFF086  }
0x25: {  	[simem:s6], [sflag:s4] =	dma.local [hbm:s3], $0xF7A  }
0x26: {  	[smem:$0x3F99] =	sst s1;
	(tag) =	ssettag s2;
	_ =	strace s9  }
0x27: {  	s1 =	sld [smem:$0x3FA9]  }
0x28: {  	s2 =	sld [smem:$0x3FAA]  }
0x29: {  	s4 =	sld [smem:$0x3FAC]  }
0x2a: {  	p0 =	seq.s32 s5, $0x0;
	s5 =	sld [smem:$0x3FAD]  }
0x2b: {  	s6 =	sld [smem:$0x3FAE]  }
0x2c: {  	s7 =	sld [smem:$0x3FAF]  }
0x2d: {  	s3 =	simm.s32 $0x108;
	s8 =	sld [smem:$0x3FB0]  }
0x2e: {  	s3 =	simm.s32 @!p0 $0x1082;
	s9 =	sld [smem:$0x3FB1]  }
0x2f: {  	lr =	sadd.s32 s0, s3;
	s0 =	sld [smem:$0x3FA8]  }
0x30: {  	s3 =	sld [smem:$0x3FAB]  }
0x31: {  	[smem:$0x3FB4] =	sst s10  }
0x32: {  	s10 =	sld [smem:$0x3FB2];
	_ =	sdelay $0x3  }
0x33: {  	p0 =	seq.s32 s10, $0x1;
	s10 =	sld [smem:$0x3FB4];
	_ =	sdelay $0x3  }
0x34: {  	[smem:$0x3FB4] =	sst s10  }
0x35: {  	s10 =	sld [smem:$0x3FB3];
	_ =	sdelay $0x3  }
0x36: {  	p1 =	seq.s32 s10, $0x1;
	s10 =	sld [smem:$0x3FB4];
	_ =	sdelay $0x3  }
0x37: {  	[smem:$0x3FB4] =	sst s10  }
0x38: {  	s10 =	sld [smem:$0x3FB5]  }
0x39: {  	_ = 	snop;
	(pc) =	sbr.ind lr, $3  }
0x3a: {  	_ = 	snop  }
0x3b: {  	_ = 	snop  }
0x3c: {  	p2 =	seq.s32 s10, $0x1;
	s10 =	sld [smem:$0x3FB4]  }
0x3d: {  	_ =	shalt  }
0x3e: {  	_ =	shalt  }
0x3f: {  	_ =	shalt  }
0x40: {  	_ =	shalt  }
0x41: {  	_ =	shalt  }
0x42: {  	_ =	shalt  }
0x43: {  	_ =	shalt  }
0x44: {  	_ =	shalt  }
0x45: {  	_ =	shalt  }
0x46: {  	_ =	shalt  }
0x47: {  	_ =	shalt  }
0x48: {  	_ =	shalt  }
0x49: {  	_ =	shalt  }
0x4a: {  	_ =	shalt  }
0x4b: {  	_ =	shalt  }
0x4c: {  	_ =	shalt  }
0x4d: {  	_ =	shalt  }
0x4e: {  	_ =	shalt  }
0x4f: {  	_ =	shalt  }
0x50: {  	_ =	shalt  }
0x51: {  	_ =	shalt  }
0x52: {  	_ =	shalt  }
0x53: {  	_ =	shalt  }
0x54: {  	_ =	shalt  }
0x55: {  	_ =	shalt  }
0x56: {  	_ =	shalt  }
0x57: {  	_ =	shalt  }
0x58: {  	_ =	shalt  }
0x59: {  	_ =	shalt  }
0x5a: {  	_ =	shalt  }
0x5b: {  	_ =	shalt  }
0x5c: {  	_ =	shalt  }
0x5d: {  	_ =	shalt  }
0x5e: {  	_ =	shalt  }
0x5f: {  	_ =	shalt  }
0x60: {  	_ =	shalt  }
0x61: {  	_ =	shalt  }
0x62: {  	_ =	shalt  }
0x63: {  	_ =	shalt  }
0x64: {  	_ =	shalt  }
0x65: {  	_ =	shalt  }
0x66: {  	_ =	shalt  }
0x67: {  	_ =	shalt  }
0x68: {  	_ =	shalt  }
0x69: {  	_ =	shalt  }
0x6a: {  	_ =	shalt  }
0x6b: {  	_ =	shalt  }
0x6c: {  	_ =	shalt  }
0x6d: {  	_ =	shalt  }
0x6e: {  	_ =	shalt  }
0x6f: {  	_ =	shalt  }
0x70: {  	_ =	shalt  }
0x71: {  	_ =	shalt  }
0x72: {  	_ =	shalt  }
0x73: {  	_ =	shalt  }
0x74: {  	_ =	shalt  }
0x75: {  	_ =	shalt  }
0x76: {  	_ =	shalt  }
0x77: {  	_ =	shalt  }
0x78: {  	_ =	shalt  }
0x79: {  	_ =	shalt  }
0x7a: {  	_ =	shalt  }
0x7b: {  	_ =	shalt  }
0x7c: {  	_ =	shalt  }
0x7d: {  	_ =	shalt  }
0x7e: {  	_ =	shalt  }
0x7f: {  	_ =	shalt  }
0x80: {  	_ =	shalt  }
0x81: {  	_ =	shalt  }
0x82: {  	_ =	shalt  }
0x83: {  	_ =	shalt  }
0x84: {  	_ =	shalt  }
0x85: {  	_ =	shalt  }
0x86: {  	_ =	shalt  }
0x87: {  	_ =	shalt  }
.Lfunc_end0:
.L_simem_size_0:
called_computation_lowered:
.L_overlay_start_0:
0x88: {  	s2 =	sld [smem:$0x3FD9]  }
0x89: {  	s3 =	sld [smem:$0x3FFE];
	_ =	sdelay $0x1  }
0x8a: {  	s1 =	srdreg.scid  }
0x8b: {  	s0 =	sand.u32 $0x1, s1  }
0x8c: {  	s17 =	sshll.u32 s0, $0xA;
	s2 =	sadd.s32 s3, s2  }
0x8d: {  	s2 =	sadd.s32 s2, s17  }
0x8e: {  	[smem:$0x3FC0] =	sst s2  }
0x8f: {  	_ = 	snop  }
0x90: {  	s2 =	sld [smem:$0x3FD0];
	(tm) =	ssettm $0x1  }
0x91: {  	s18 =	sld [smem:$0x3FFB];
	_ =	sdelay $0x3  }
0x92: {  	_ =	strace s18  }
0x93: {  	s3 =	sld [smem:$0x3FFC];
	_ =	sdelay $0x3  }
0x94: {  	_ =	strace s3  }
0x95: {  	s3 =	sld [smem:$0x3FFD];
	_ =	sdelay $0x3  }
0x96: {  	_ =	strace s3  }
0x97: {  	_ =	strace $0x8FFFFFFF  }
0x98: {  	s19 =	sld [smem:$0x3FDB];
	_ =	sdelay $0x1  }
0x99: {  	s4 =	simm.s32 $_scs_section_size  }
0x9a: {  	s5 =	simm.s32 $_size__tile_overlayer_lowered;
	s6 =	simm.s32 $_tile_overlayer_lowered  }
0x9b: {  	s22 =	simm.s32 $0x1BFF;
	s21 =	sshll.u32 s6, $0x1;
	s3 =	sadd.s32 s4, s19  }
0x9c: {  	s7 =	simm.s32 $0x0;
	s20 =	sshll.u32 s5, $0x1;
	s5 =	sadd.s32 s21, s3  }
0x9d: {  	[timem:s7], [sflag:s22] =	dma.local [hbm:s5], s20  }
0x9e: {  	_ =	swait.ge [sflag:s22], s20  }
0x9f: {  	s4 =	ssub.s32 $0x0, s20;
	[sflag:s22] =	ssyncset.done $0x0  }
0xa0: {  	[sflag:s22] =	ssyncadd.s32 s4;
	_ =	sdelay $0x1  }
0xa1: {  	s23 =	simm.s32 $0x1B8B  }
0xa2: {  	_ =	swait.ge [sflag:s23], $0x1  }
0xa3: {  	[sflag:s23] =	ssyncset.done $0x0  }
0xa4: {  	s25 =	simm.s32 $0x1B8E;
	s24 =	sld [smem:$0x3FFE];
	[sflag:s23] =	ssyncadd.s32 $0xFFFFFFFF  }
0xa5: {  	s26 =	simm.s32 $execute0_lowered;
	[smem:$0x3FD2] =	sst s25  }
0xa6: {  	s5 =	sshll.u32 s26, $0x1;
	_ =	strace $0x80000046;
	[dreg:$0x1] =	wrdreg $0xFFFFFFFF  }
0xa7: {  	s28 =	simm.s32 $_size_execute0_lowered;
	s3 =	sadd.s32 s3, s5;
	[dreg:$0x0] =	wrdreg $0x0  }
0xa8: {  	s5 =	sshll.u32 s28, $0x1;
	[dreg:$0x2] =	wrdreg s3  }
0xa9: {  	[dreg:$0x3] =	wrdreg s5  }
0xaa: {  	[dreg:$0x4] =	wrdreg $0xC0  }
0xab: {  	_ =	task [dreg:s7], $0x5FFFF  }
0xac: {  	[dreg:$0x1] =	wrdreg $0xFFFFFFFF  }
0xad: {  	[dreg:$0x0] =	wrdreg $0x60  }
0xae: {  	[dreg:$0x2] =	wrdreg s24  }
0xaf: {  	[dreg:$0x3] =	wrdreg s2  }
0xb0: {  	[dreg:$0x4] =	wrdreg $0x0  }
0xb1: {  	[dreg:$0x5] =	wrdreg $0x1D2400  }
0xb2: {  	[dreg:$0x6] =	wrdreg $0x9  }
0xb3: {  	_ =	task.clear_ibuf [dreg:s7], $0x7FFFF;
	_ =	strace $0x90000046  }
0xb4: {  	s29 =	simm.s32 $0x9;
	_ =	strace $0x80000048  }
0xb5: {  	_ =	swait.ge [sflag:s29], $0x1  }
0xb6: {  	[sflag:s29] =	ssyncadd.s32 $0xFFFFFFFF  }
0xb7: {  	_ =	strace $0x90000048  }
0xb8: {  	_ =	sfence  }
0xb9: {  	s30 =	sld [smem:$0x0];
	_ =	sdelay $0x2  }
0xba: {  	s31 =	sshll.u32 s1, $0xD;
	s1 =	sshrl.u32 s1, $0x2  }
0xbb: {  	s3 =	sand.u32 $0x4000, s31;
	s1 =	sadd.s32 s1, s30  }
0xbc: {  	s0 =	sor.u32 s3, s0;
	s1 =	sshll.u32 s1, $0x11  }
0xbd: {  	s0 =	sor.u32 s1, s0  }
0xbe: {  	s0 =	sadd.s32 $0x8F2B, s0  }
0xbf: {  	[sflag:s0] =	ssyncadd.remote.s32 $0x1  }
0xc0: {  	_ =	sfence.sel $0xFFFF  }
0xc1: {  	[dreg:$0x0] =	wrdreg $0xFFFFFFFF;
	(pc) =	sbr.abs _section_cstart, $3  }
0xc2: {  	[dreg:$0x1] =	wrdreg $0xFFFFFFFF  }
0xc3: {  	_ =	task.clear_ibuf [dreg:s7], $0x2FFFF;
	_ =	strace $0x9FFFFFFF  }
0xc4: {  	(tm) =	ssettm $0x7FFFFFFF  }
0xc5: {  	_ =	shalt  }
tec
execute0_lowered:
.L_overlay_start_1:
0x0: {  	(tag) =	ssettag $0x1  }
0x1: {  	s0 =	rddreg [dreg:$0x0]  }
0x2: {  	s2 =	rddreg [dreg:$0x1]  }
0x3: {  	s1 =	rddreg [dreg:$0x2]  }
0x4: {  	s4 =	srdreg.scid;
	s16 =	stileid.u32  }
0x5: {  	s3 =	rddreg [dreg:$0x3];
	s10 =	smul.u32 $0x9C4, s16  }
0x6: {  	s28 =	simm.s32 $0x3;
	s29 =	simm.s32 $0x5;
	s7 =	smul.u32 $0xA000, s16  }
0x7: {  	s30 =	simm.s32 $0x0;
	s5 =	sand.u32 $0x1, s4;
	s8 =	smul.u32 $0x280, s16  }
0x8: {  	s4 =	simm.s32 $0x0;
	s15 =	sadd.s32 $0x32800, s0;
	s6 =	smul.u32 $0x13880, s5  }
0x9: {  	s23 =	sshll.u32 s16, $0x6;
	s16 =	simm.s32 $0x1D4C0;
	s17 =	smul.u32 $0x14000, s5  }
0xa: {  	[smem:$0x7FF] =	sst s4;
	s13 =	smul.u32 $0x500, s5;
	s5 =	ssub.s32 $0x2, s5  }
0xb: {  	_ =	strace $0x80000047;
	s9 =	sadd.s32 s10, s0;
	s18 =	sshrl.u32 s7, $0x3  }
0xc: {  	s20 =	sshrl.u32 s8, $0x3;
	[dreg:$0x5] =	wrdreg s15;
	s21 =	sshrl.u32 s5, $0x1  }
0xd: {  	s22 =	sadd.s32 s7, s1;
	s7 =	sor.u32 $0x1C07, s23;
	s25 =	sadd.s32 s8, s3  }
0xe: {  	s10 =	sadd.s32 s2, s10;
	s23 =	simm.s32 $0x2;
	s11 =	sadd.s32 s6, s0  }
0xf: {  	s12 =	sadd.s32 s18, s0;
	s14 =	sadd.s32 s20, s0;
	s19 =	sadd.s32 s17, s0  }
0x10: {  	s0 =	sadd.s32 s13, s0;
	s5 =	ssub.s32 s5, s21;
	s9 =	sadd.s32 $0x1800, s9  }
0x11: {  	s13 =	sshrl.u32 s22, $0x3;
	s15 =	sshrl.u32 s25, $0x3;
	s17 =	simm.s32 $0xA000  }
0x12: {  	s21 =	simm.s32 $0x1;
	s25 =	simm.s32 $0x4;
	s24 =	sadd.s32 $0x33000, s12  }
0x13: {  	s26 =	sadd.s32 $0x32A00, s14;
	s11 =	sadd.s32 $0xB600, s11;
	s31 =	sadd.s32 $0x47000, s19  }
0x14: {  	s0 =	sadd.s32 $0x6F000, s0;
	s12 =	smax.u32 s5, $0x1;
	[dreg:$0x6] =	wrdreg s24  }
0x15: {  	s14 =	simm.s32 $0x7;
	s19 =	simm.s32 $0xC8;
	[dreg:$0x7] =	wrdreg s26  }
0x16: {  	s22 =	sadd.s32 s18, s31;
	s24 =	sadd.s32 s20, s0;
	s26 =	simm.s32 $0x6  }
.LBB2_1:
0x17: {  	s0 =	rddreg [dreg:$0x6]  }
0x18: {  	[spmem:s13], [sflag:s7] =	dma.local [hbm:s0], $0x1400  }
0x19: {  	_ =	swait.ge [sflag:s14], $0x1400  }
0x1a: {  	[sflag:s14] =	ssyncset.done $0x0  }
0x1b: {  	s6 =	rddreg [dreg:$0x7];
	[sflag:s14] =	ssyncadd.s32 $0xFFFFEC00  }
0x1c: {  	[spmem:s15], [sflag:s7] =	dma.local [hbm:s6], $0x50  }
0x1d: {  	_ =	swait.ge [sflag:s14], $0x50  }
0x1e: {  	[sflag:s14] =	ssyncset.done $0x0  }
0x1f: {  	s8 =	rddreg [dreg:$0x5];
	[sflag:s14] =	ssyncadd.s32 $0xFFFFFFB0  }
0x20: {  	[tilespmem:s16], [sflag:$0x7] =	stream.linear.gather [hbm4b:s8+s4], $0xC8, $0x38;
	[tilespmem:$0x1D588] =	vst v63  }
0x21: {  	_ =	swait.ge [sflag:s14], $0xC8  }
0x22: {  	[sflag:s14] =	ssyncset.done $0x0  }
0x23: {  	[sflag:s14] =	ssyncadd.s32 $0xFFFFFF38  }
0x24: {  	[tilespmem:s17], [sflag:$0x7] =	stream.linear.gather [hbm4b:s9+s4], $0x4E20, $0x38;
	[tilespmem:$0x1D588] =	vst v63  }
0x25: {  	_ =	swait.ge [sflag:s14], $0x4E20  }
0x26: {  	[sflag:s14] =	ssyncset.done $0x0  }
0x27: {  	s18 =	simm.s32 $0xEE20;
	[sflag:s14] =	ssyncadd.s32 $0xFFFFB1E0  }
0x28: {  	[tilespmem:s18], [sflag:$0x7] =	stream.linear.gather [hbm4b:s10+s4], $0x4E20, $0x38;
	[tilespmem:$0x1D588] =	vst v63  }
.Ltmp0:
0x29: {  	_ =	swait.ge [sflag:s14], $0x4E20;
	(pc) =	sbr.rel .LBB2_2-.Ltmp0, $4  }
0x2a: {  	[sflag:s14] =	ssyncset.done $0x0  }
0x2b: {  	s20 =	simm.s32 $0x13C40;
	s31 =	simm.s32 $0x31;
	[sflag:s14] =	ssyncadd.s32 $0xFFFFB1E0  }
0x2c: {  	s2 =	simm.s32 $0x0;
	s0 =	simm.s32 $0x0;
	[bflag:$0x0] =	sbarrier.arrive $0xFFFF  }
0x2d: {  	[tilespmem:s20], [sflag:$0x1] =	stream.indirect.gather [hbm4b:s11+s19], $0x40, s17, s19, $0xb8;
	[tilespmem:$0x1D588] =	vst v63  }
.LBB2_3:
0x2e: {  	[spmem:s1] =	stream.indirect.scatter.add.f32 [tilespmem:s20], [sflag:$0x4], $0x40, s5, s19, $0xb8;
	[tilespmem:$0x1D588] =	vst v63  }
0x2f: {  	_ = 	snop  }
0x30: {  	[spmem:s3] =	stream.indirect.scatter.add.f32 [tilespmem:s16], [sflag:$0x6], $0x1, s5, s19, $0xb8;
	[tilespmem:$0x1D588] =	vst v63  }
.LBB2_5:
0x31: {  	s0 =	sadd.s32 $0x2, s0  }
0x32: {  	s5 =	smul.u32 $0xAB, s0;
	_ =	sdelay $0x1  }
0x33: {  	s5 =	sshrl.u32 s5, $0x9  }
0x34: {  	s5 =	sand.u32 $0x7F, s5  }
0x35: {  	s5 =	smul.u32 $0x3, s5;
	_ =	sdelay $0x1  }
0x36: {  	s5 =	ssub.s32 s0, s5  }
0x37: {  	s5 =	sand.u32 $0xFF, s5  }
0x38: {  	s5 =	smul.u32 $0xC800, s5;
	_ =	sdelay $0x1  }
0x39: {  	s6 =	sadd.s32 $0xA190, s18;
	s5 =	sshrl.u32 s5, $0x2  }
0x3a: {  	s31 =	sadd.s32 $0xFFFFFFFF, s31;
	s2 =	sadd.s32 $0x640, s2;
	s5 =	sadd.s32 $0x13C40, s5  }
0x3b: {  	[tilespmem:s5], [sflag:$0x1] =	stream.indirect.gather [hbm4b:s11+s19], $0x40, s6, s19, $0xb8;
	[tilespmem:$0x1D588] =	vst v63  }
.LBB2_2:
0x3c: {  	s5 =	smul.u32 $0xAB, s0;
	_ =	sdelay $0x1  }
0x3d: {  	s20 =	sadd.s32 $0x1, s0;
	s5 =	sshrl.u32 s5, $0x9  }
0x3e: {  	_ =	swait.ge [sflag:s21], $0x3200;
	s6 =	smul.u32 $0xAB, s20;
	s5 =	sand.u32 $0x7F, s5  }
0x3f: {  	p0 =	seq.s32 s31, $0x31;
	[sflag:s21] =	ssyncset.done $0x0;
	s5 =	smul.u32 $0x3, s5  }
0x40: {  	s18 =	simm.s32 @!p0 $0x3;
	[sflag:s21] =	ssyncadd.s32 $0xFFFFCE00;
	s6 =	sshrl.u32 s6, $0x9  }
0x41: {  	_ =	swait.ge @!p0 [sflag:s18], $0x3200;
	s6 =	sand.u32 $0x7F, s6;
	s5 =	ssub.s32 s0, s5  }
0x42: {  	[sflag:s18] =	ssyncset.done @!p0 $0x0;
	s6 =	smul.u32 $0x3, s6;
	s5 =	sand.u32 $0xFF, s5  }
0x43: {  	s8 =	simm.s32 @!p0 $0x5;
	[sflag:s18] =	ssyncadd.s32 @!p0 $0xFFFFCE00;
	s5 =	smul.u32 $0xC800, s5  }
0x44: {  	s18 =	sshra.s32 s2, $0x2;
	_ =	swait.ge @!p0 [sflag:s8], $0xC8  }
0x45: {  	[sflag:s8] =	ssyncset.done @!p0 $0x0;
	s6 =	ssub.s32 s20, s6;
	s5 =	sshrl.u32 s5, $0x2  }
0x46: {  	[sflag:s8] =	ssyncadd.s32 @!p0 $0xFFFFFF38;
	s8 =	sadd.s32 $0xEE20, s18;
	s5 =	sadd.s32 $0x13C40, s5  }
0x47: {  	[spmem:s1] =	stream.indirect.scatter.add.f32 [tilespmem:s5], [sflag:$0x3], $0x40, s8, s19, $0xb8;
	[tilespmem:$0x1D588] =	vst v63  }
0x48: {  	s5 =	sand.u32 $0xFF, s6  }
0x49: {  	s5 =	smul.u32 $0xC800, s5  }
0x4a: {  	[spmem:s3] =	stream.indirect.scatter.add.f32 [tilespmem:s16], [sflag:$0x5], $0x1, s8, s19, $0xb8;
	[tilespmem:$0x1D588] =	vst v63  }
0x4b: {  	p0 =	sne.s32 s31, $0x31;
	s5 =	sshrl.u32 s5, $0x2  }
.Ltmp1:
0x4c: {  	s8 =	sadd.s32 $0xA0C8, s18;
	s20 =	sadd.s32 $0x13C40, s5;
	(pc) =	sbr.rel @!p0 .LBB2_3-.Ltmp1, $4  }
0x4d: {  	[tilespmem:s20], [sflag:$0x2] =	stream.indirect.gather [hbm4b:s11+s19], $0x40, s8, s19, $0xb8;
	[tilespmem:$0x1D588] =	vst v63  }
0x4e: {  	_ =	swait.ge [sflag:s23], $0x3200  }
0x4f: {  	[sflag:s23] =	ssyncset.done $0x0  }
0x50: {  	s5 =	sadd.s32 $0xEEE8, s18;
	[sflag:s23] =	ssyncadd.s32 $0xFFFFCE00  }
0x51: {  	_ =	swait.ge [sflag:s25], $0x3200  }
0x52: {  	[sflag:s25] =	ssyncset.done $0x0  }
0x53: {  	[sflag:s25] =	ssyncadd.s32 $0xFFFFCE00  }
0x54: {  	p0 =	seq.s32 s31, $0x0;
	_ =	swait.ge [sflag:s26], $0xC8  }
.Ltmp2:
0x55: {  	[sflag:s26] =	ssyncset.done $0x0;
	(pc) =	sbr.rel @!p0 .LBB2_5-.Ltmp2, $4  }
0x56: {  	[sflag:s26] =	ssyncadd.s32 $0xFFFFFF38  }
0x57: {  	[spmem:s1] =	stream.indirect.scatter.add.f32 [tilespmem:s20], [sflag:$0x4], $0x40, s5, s19, $0xb8;
	[tilespmem:$0x1D588] =	vst v63  }
0x58: {  	_ = 	snop  }
0x59: {  	[spmem:s3] =	stream.indirect.scatter.add.f32 [tilespmem:s16], [sflag:$0x6], $0x1, s5, s19, $0xb8;
	[tilespmem:$0x1D588] =	vst v63  }
0x5a: {  	_ =	swait.ge [sflag:s28], $0x3200  }
0x5b: {  	[sflag:s28] =	ssyncset.done $0x0  }
0x5c: {  	[sflag:s28] =	ssyncadd.s32 $0xFFFFCE00  }
0x5d: {  	_ =	swait.ge [sflag:s29], $0xC8  }
0x5e: {  	[sflag:s29] =	ssyncset.done $0x0  }
0x5f: {  	[sflag:s29] =	ssyncadd.s32 $0xFFFFFF38  }
0x60: {  	_ =	swait.ge [sflag:s25], $0x3200  }
0x61: {  	[sflag:s25] =	ssyncset.done $0x0  }
0x62: {  	[sflag:s25] =	ssyncadd.s32 $0xFFFFCE00  }
0x63: {  	_ =	swait.ge [sflag:s26], $0xC8  }
0x64: {  	[sflag:s26] =	ssyncset.done $0x0  }
0x65: {  	[sflag:s26] =	ssyncadd.s32 $0xFFFFFF38  }
0x66: {  	[bflag:$0x0] =	sbarrier.arrive $0xFFFF  }
0x67: {  	[hbm:s22], [sflag:s7] =	dma.local [spmem:s13], $0x1400  }
0x68: {  	s30 =	sadd.s32 $0x1, s30;
	_ =	swait.ge [sflag:s14], $0x1400  }
0x69: {  	p0 =	sne.s32 s30, s12;
	[sflag:s14] =	ssyncset.done $0x0  }
.Ltmp3:
0x6a: {  	[sflag:s14] =	ssyncadd.s32 $0xFFFFEC00;
	(pc) =	sbr.rel @p0 .LBB2_1-.Ltmp3, $4  }
0x6b: {  	[hbm:s24], [sflag:s7] =	dma.local [spmem:s15], $0x50  }
0x6c: {  	_ =	swait.ge [sflag:s14], $0x50  }
0x6d: {  	[sflag:s14] =	ssyncset.done $0x0  }
0x6e: {  	[sflag:s14] =	ssyncadd.s32 $0xFFFFFFB0  }
0x6f: {  	_ =	sfence.sel $0x180000  }
0x70: {  	[bflag:$0x0] =	sbarrier.arrive $0xFFFF  }
0x71: {  	_ =	strace $0x90000047  }
0x72: {  	s0 =	stileid.u32;
	[bflag:$0x2] =	sbarrier.arrive $0xFFFF  }
0x73: {  	p0 =	sne.s32 s0, $0x0;
	s0 =	rddreg [dreg:$0x4]  }
0x74: {  	s0 =	sadd.s32 @!p0 $0x100000, s0  }
0x75: {  	[sflag:s0] =	ssyncadd.tile.s32 @!p0 $0x1;
	_ =	shalt  }
.Lfunc_end2:
_tile_overlayer_lowered:
.L_overlay_start_2:
0x76: {  	(tag) =	ssettag $0x2  }
0x77: {  	s0 =	rddreg [dreg:$0x0];
	s2 =	stileid.u32  }
0x78: {  	s1 =	rddreg [dreg:$0x1];
	p0 =	sne.s32 s2, $0x0  }
0x79: {  	s3 =	rddreg [dreg:$0x2];
	[bflag:$0x3] =	sbarrier.arrive $0xFFFF;
	s2 =	simm.s32 @!p0 $0x1C07  }
0x7a: {  	[timem:s3], [sflag:s2] =	dma.local @!p0 [hbm:s0], s1  }
0x7b: {  	s0 =	simm.s32 @!p0 $0x7  }
0x7c: {  	_ =	swait.ge @!p0 [sflag:s0], s1  }
0x7d: {  	s1 =	ssub.s32 @!p0 $0x0, s1;
	[sflag:s0] =	ssyncset.done @!p0 $0x0  }
0x7e: {  	[sflag:s0] =	ssyncadd.s32 @!p0 s1  }
0x7f: {  	[bflag:$0x3] =	sbarrier.arrive $0xFFFF  }
0x80: {  	_ =	shalt  }

// kernel: kernel.9.cloned.1.call-start
scs
__scs_entry_jumppad:
0x0: {  	(pc) =	sbr.rel $0x88, $3  }
0x1: {  	(tag) =	ssettag $0x0;
	lr =	simm.s32 $0x1  }
0x2: {  	[smem:$0x3F99] =	sst lr;
	_ =	strace $0xD0000000  }
0x3: {  	_ = 	snop  }
0x4: {  	_ = 	snop  }
0x5: {  	_ = 	snop  }
0x6: {  	_ = 	snop  }
0x7: {  	_ = 	snop  }
__scs_overlays_trampoline_lowered:
0x8: {  	[smem:$0x3FA8] =	sst s0  }
0x9: {  	[smem:$0x3FA9] =	sst s1  }
0xa: {  	[smem:$0x3FAA] =	sst s2  }
0xb: {  	[smem:$0x3FAB] =	sst s3  }
0xc: {  	[smem:$0x3FAC] =	sst s4  }
0xd: {  	[smem:$0x3FAD] =	sst s5  }
0xe: {  	[smem:$0x3FAE] =	sst s6  }
0xf: {  	[smem:$0x3FAF] =	sst s7  }
0x10: {  	[smem:$0x3FB0] =	sst s8  }
0x11: {  	[smem:$0x3FB1] =	sst s9;
	s0 =	simm.s32 @!p0 $0x0  }
0x12: {  	s1 =	sld [smem:$0x3F97];
	s0 =	simm.s32 @p0 $0x1  }
0x13: {  	[smem:$0x3FB2] =	sst s0;
	s0 =	simm.s32 @!p1 $0x0  }
0x14: {  	s2 =	sld [smem:$0x3F96];
	s0 =	simm.s32 @p1 $0x1  }
0x15: {  	[smem:$0x3FB3] =	sst s0;
	s0 =	simm.s32 @!p2 $0x0  }
0x16: {  	s3 =	sld [smem:$0x3FDB];
	s0 =	simm.s32 @p2 $0x1  }
0x17: {  	s4 =	simm.s32 $0x1BF5;
	[smem:$0x3FB5] =	sst s0  }
0x18: {  	s0 =	sld [smem:$0x3F98];
	_ =	swait.ge [sflag:s4], $0x0  }
0x19: {  	s7 =	sld [smem:$0x3F99]  }
0x1a: {  	s8 =	sadd.s32 $0xFFFFE003, lr  }
0x1b: {  	s9 =	sadd.s32 $0xFFFFFEF7, lr;
	s5 =	simm.s32 $0xFFFFFFFF;
	p2 =	slt.u32 s8, $0xFFFFF086  }
0x1c: {  	p1 =	slt.u32 s9, $0xF7A;
	s5 =	simm.s32 @!p2 $0x0  }
0x1d: {  	s5 =	simm.s32 @p1 $0x1;
	p0 =	seq.s32 s7, s2  }
0x1e: {  	s7 =	smul.u32 @!p0 $0xF7A, s2;
	p2 =	seq.s32 @!p0 s5, $0x0  }
0x1f: {  	s9 =	smul.u32 $0xF7A, s1;
	s8 =	simm.s32 @!p0 $0x1BF5;
	p2 =	por !p2, p0  }
0x20: {  	[sflag:s8] =	ssyncset.s32 @!p0 $0xFFFFF086;
	s6 =	sadd.s32 @!p0 s3, s7;
	s7 =	simm.s32 @!p0 $0x108  }
0x21: {  	s3 =	sadd.s32 s3, s9;
	s6 =	sadd.s32 @!p0 $0x88, s6;
	s7 =	simm.s32 @p2 $0x1082  }
0x22: {  	[simem:s7], [sflag:s8] =	dma.local @!p0 [hbm:s6], $0xF7A  }
0x23: {  	s9 =	sor.u32 $0xD0000000, s2;
	s6 =	simm.s32 $0x108;
	_ =	swait.ge @!p0 [sflag:s8], $0x0  }
0x24: {  	s3 =	sadd.s32 $0x88, s3;
	s6 =	simm.s32 @!p1 $0x1082;
	[sflag:s4] =	ssyncset.s32 $0xFFFFF086  }
0x25: {  	[simem:s6], [sflag:s4] =	dma.local [hbm:s3], $0xF7A  }
0x26: {  	[smem:$0x3F99] =	sst s1;
	(tag) =	ssettag s2;
	_ =	strace s9  }
0x27: {  	s1 =	sld [smem:$0x3FA9]  }
0x28: {  	s2 =	sld [smem:$0x3FAA]  }
0x29: {  	s4 =	sld [smem:$0x3FAC]  }
0x2a: {  	p0 =	seq.s32 s5, $0x0;
	s5 =	sld [smem:$0x3FAD]  }
0x2b: {  	s6 =	sld [smem:$0x3FAE]  }
0x2c: {  	s7 =	sld [smem:$0x3FAF]  }
0x2d: {  	s3 =	simm.s32 $0x108;
	s8 =	sld [smem:$0x3FB0]  }
0x2e: {  	s3 =	simm.s32 @!p0 $0x1082;
	s9 =	sld [smem:$0x3FB1]  }
0x2f: {  	lr =	sadd.s32 s0, s3;
	s0 =	sld [smem:$0x3FA8]  }
0x30: {  	s3 =	sld [smem:$0x3FAB]  }
0x31: {  	[smem:$0x3FB4] =	sst s10  }
0x32: {  	s10 =	sld [smem:$0x3FB2];
	_ =	sdelay $0x3  }
0x33: {  	p0 =	seq.s32 s10, $0x1;
	s10 =	sld [smem:$0x3FB4];
	_ =	sdelay $0x3  }
0x34: {  	[smem:$0x3FB4] =	sst s10  }
0x35: {  	s10 =	sld [smem:$0x3FB3];
	_ =	sdelay $0x3  }
0x36: {  	p1 =	seq.s32 s10, $0x1;
	s10 =	sld [smem:$0x3FB4];
	_ =	sdelay $0x3  }
0x37: {  	[smem:$0x3FB4] =	sst s10  }
0x38: {  	s10 =	sld [smem:$0x3FB5]  }
0x39: {  	_ = 	snop;
	(pc) =	sbr.ind lr, $3  }
0x3a: {  	_ = 	snop  }
0x3b: {  	_ = 	snop  }
0x3c: {  	p2 =	seq.s32 s10, $0x1;
	s10 =	sld [smem:$0x3FB4]  }
0x3d: {  	_ =	shalt  }
0x3e: {  	_ =	shalt  }
0x3f: {  	_ =	shalt  }
0x40: {  	_ =	shalt  }
0x41: {  	_ =	shalt  }
0x42: {  	_ =	shalt  }
0x43: {  	_ =	shalt  }
0x44: {  	_ =	shalt  }
0x45: {  	_ =	shalt  }
0x46: {  	_ =	shalt  }
0x47: {  	_ =	shalt  }
0x48: {  	_ =	shalt  }
0x49: {  	_ =	shalt  }
0x4a: {  	_ =	shalt  }
0x4b: {  	_ =	shalt  }
0x4c: {  	_ =	shalt  }
0x4d: {  	_ =	shalt  }
0x4e: {  	_ =	shalt  }
0x4f: {  	_ =	shalt  }
0x50: {  	_ =	shalt  }
0x51: {  	_ =	shalt  }
0x52: {  	_ =	shalt  }
0x53: {  	_ =	shalt  }
0x54: {  	_ =	shalt  }
0x55: {  	_ =	shalt  }
0x56: {  	_ =	shalt  }
0x57: {  	_ =	shalt  }
0x58: {  	_ =	shalt  }
0x59: {  	_ =	shalt  }
0x5a: {  	_ =	shalt  }
0x5b: {  	_ =	shalt  }
0x5c: {  	_ =	shalt  }
0x5d: {  	_ =	shalt  }
0x5e: {  	_ =	shalt  }
0x5f: {  	_ =	shalt  }
0x60: {  	_ =	shalt  }
0x61: {  	_ =	shalt  }
0x62: {  	_ =	shalt  }
0x63: {  	_ =	shalt  }
0x64: {  	_ =	shalt  }
0x65: {  	_ =	shalt  }
0x66: {  	_ =	shalt  }
0x67: {  	_ =	shalt  }
0x68: {  	_ =	shalt  }
0x69: {  	_ =	shalt  }
0x6a: {  	_ =	shalt  }
0x6b: {  	_ =	shalt  }
0x6c: {  	_ =	shalt  }
0x6d: {  	_ =	shalt  }
0x6e: {  	_ =	shalt  }
0x6f: {  	_ =	shalt  }
0x70: {  	_ =	shalt  }
0x71: {  	_ =	shalt  }
0x72: {  	_ =	shalt  }
0x73: {  	_ =	shalt  }
0x74: {  	_ =	shalt  }
0x75: {  	_ =	shalt  }
0x76: {  	_ =	shalt  }
0x77: {  	_ =	shalt  }
0x78: {  	_ =	shalt  }
0x79: {  	_ =	shalt  }
0x7a: {  	_ =	shalt  }
0x7b: {  	_ =	shalt  }
0x7c: {  	_ =	shalt  }
0x7d: {  	_ =	shalt  }
0x7e: {  	_ =	shalt  }
0x7f: {  	_ =	shalt  }
0x80: {  	_ =	shalt  }
0x81: {  	_ =	shalt  }
0x82: {  	_ =	shalt  }
0x83: {  	_ =	shalt  }
0x84: {  	_ =	shalt  }
0x85: {  	_ =	shalt  }
0x86: {  	_ =	shalt  }
0x87: {  	_ =	shalt  }
.Lfunc_end0:
.L_simem_size_0:
called_computation.1_lowered:
.L_overlay_start_0:
0x88: {  	s2 =	sld [smem:$0x3FD9]  }
0x89: {  	s3 =	sld [smem:$0x3FFE];
	_ =	sdelay $0x1  }
0x8a: {  	s1 =	srdreg.scid  }
0x8b: {  	s0 =	sand.u32 $0x1, s1  }
0x8c: {  	s17 =	sshll.u32 s0, $0xA;
	s2 =	sadd.s32 s3, s2  }
0x8d: {  	s2 =	sadd.s32 s2, s17  }
0x8e: {  	[smem:$0x3FC0] =	sst s2  }
0x8f: {  	_ = 	snop  }
0x90: {  	s2 =	sld [smem:$0x3FD0];
	(tm) =	ssettm $0x1  }
0x91: {  	s18 =	sld [smem:$0x3FFB];
	_ =	sdelay $0x3  }
0x92: {  	_ =	strace s18  }
0x93: {  	s3 =	sld [smem:$0x3FFC];
	_ =	sdelay $0x3  }
0x94: {  	_ =	strace s3  }
0x95: {  	s3 =	sld [smem:$0x3FFD];
	_ =	sdelay $0x3  }
0x96: {  	_ =	strace s3  }
0x97: {  	_ =	strace $0x8FFFFFFF  }
0x98: {  	s19 =	sld [smem:$0x3FDB];
	_ =	sdelay $0x1  }
0x99: {  	s4 =	simm.s32 $_scs_section_size  }
0x9a: {  	s5 =	simm.s32 $_size__tile_overlayer_lowered;
	s6 =	simm.s32 $_tile_overlayer_lowered  }
0x9b: {  	s22 =	simm.s32 $0x1BFF;
	s21 =	sshll.u32 s6, $0x1;
	s3 =	sadd.s32 s4, s19  }
0x9c: {  	s7 =	simm.s32 $0x0;
	s20 =	sshll.u32 s5, $0x1;
	s5 =	sadd.s32 s21, s3  }
0x9d: {  	[timem:s7], [sflag:s22] =	dma.local [hbm:s5], s20  }
0x9e: {  	_ =	swait.ge [sflag:s22], s20  }
0x9f: {  	s4 =	ssub.s32 $0x0, s20;
	[sflag:s22] =	ssyncset.done $0x0  }
0xa0: {  	[sflag:s22] =	ssyncadd.s32 s4;
	_ =	sdelay $0x1  }
0xa1: {  	s23 =	simm.s32 $0x1B8B  }
0xa2: {  	_ =	swait.ge [sflag:s23], $0x1  }
0xa3: {  	[sflag:s23] =	ssyncset.done $0x0  }
0xa4: {  	s25 =	simm.s32 $0x1B8E;
	s24 =	sld [smem:$0x3FFE];
	[sflag:s23] =	ssyncadd.s32 $0xFFFFFFFF  }
0xa5: {  	s26 =	simm.s32 $execute0_lowered;
	[smem:$0x3FD2] =	sst s25  }
0xa6: {  	s5 =	sshll.u32 s26, $0x1;
	_ =	strace $0x80000049;
	[dreg:$0x1] =	wrdreg $0xFFFFFFFF  }
0xa7: {  	s28 =	simm.s32 $_size_execute0_lowered;
	s3 =	sadd.s32 s3, s5;
	[dreg:$0x0] =	wrdreg $0x0  }
0xa8: {  	s5 =	sshll.u32 s28, $0x1;
	[dreg:$0x2] =	wrdreg s3  }
0xa9: {  	[dreg:$0x3] =	wrdreg s5  }
0xaa: {  	[dreg:$0x4] =	wrdreg $0xC0  }
0xab: {  	_ =	task [dreg:s7], $0x5FFFF  }
0xac: {  	[dreg:$0x1] =	wrdreg $0xFFFFFFFF  }
0xad: {  	[dreg:$0x0] =	wrdreg $0x60  }
0xae: {  	[dreg:$0x2] =	wrdreg s24  }
0xaf: {  	[dreg:$0x3] =	wrdreg s2  }
0xb0: {  	[dreg:$0x4] =	wrdreg $0x0  }
0xb1: {  	[dreg:$0x5] =	wrdreg $0x9  }
0xb2: {  	_ =	task.clear_ibuf [dreg:s7], $0x6FFFF;
	_ =	strace $0x90000049  }
0xb3: {  	s29 =	simm.s32 $0x9;
	_ =	strace $0x8000004B  }
0xb4: {  	_ =	swait.ge [sflag:s29], $0x1  }
0xb5: {  	[sflag:s29] =	ssyncadd.s32 $0xFFFFFFFF  }
0xb6: {  	_ =	strace $0x9000004B  }
0xb7: {  	_ =	sfence  }
0xb8: {  	s30 =	sld [smem:$0x0];
	_ =	sdelay $0x2  }
0xb9: {  	s31 =	sshll.u32 s1, $0xD;
	s1 =	sshrl.u32 s1, $0x2  }
0xba: {  	s3 =	sand.u32 $0x4000, s31;
	s1 =	sadd.s32 s1, s30  }
0xbb: {  	s0 =	sor.u32 s3, s0;
	s1 =	sshll.u32 s1, $0x11  }
0xbc: {  	s0 =	sor.u32 s1, s0  }
0xbd: {  	s0 =	sadd.s32 $0x8F2B, s0  }
0xbe: {  	[sflag:s0] =	ssyncadd.remote.s32 $0x1  }
0xbf: {  	_ =	sfence.sel $0xFFFF  }
0xc0: {  	[dreg:$0x0] =	wrdreg $0xFFFFFFFF;
	(pc) =	sbr.abs _section_cstart, $3  }
0xc1: {  	[dreg:$0x1] =	wrdreg $0xFFFFFFFF  }
0xc2: {  	_ =	task.clear_ibuf [dreg:s7], $0x2FFFF;
	_ =	strace $0x9FFFFFFF  }
0xc3: {  	(tm) =	ssettm $0x7FFFFFFF  }
tec
execute0_lowered:
.L_overlay_start_1:
0x0: {  	(tag) =	ssettag $0x1  }
0x1: {  	s5 =	rddreg [dreg:$0x0]  }
0x2: {  	s8 =	rddreg [dreg:$0x1];
	s1 =	srdreg.scid  }
0x3: {  	s0 =	stileid.u32;
	s2 =	rddreg [dreg:$0x2];
	s3 =	simm.s32 $0x0  }
0x4: {  	s15 =	simm.s32 $0xEE20;
	s16 =	simm.s32 $0x1;
	s17 =	simm.s32 $0xA0C8  }
0x5: {  	s18 =	simm.s32 $0x12020;
	s19 =	simm.s32 $0x2;
	s20 =	simm.s32 $0x3  }
0x6: {  	s21 =	simm.s32 $0xC7D8;
	s22 =	simm.s32 $0xA190;
	s23 =	simm.s32 $0x4  }
0x7: {  	s6 =	sand.u32 $0x1, s1;
	s4 =	sshll.u32 s0, $0x1;
	s1 =	rddreg [dreg:$0x3]  }
0x8: {  	[smem:$0x7FF] =	sst s3;
	s7 =	smul.u32 $0xA000, s0;
	s31 =	sshll.u32 s0, $0x6  }
0x9: {  	s4 =	sor.u32 s6, s4;
	_ =	strace $0x8000004A;
	s10 =	smul.u32 $0x14000, s6  }
0xa: {  	s6 =	ssub.s32 $0x2, s6;
	s9 =	smul.u32 $0x4E2, s4;
	s4 =	sadd.s32 $0xB600, s5  }
0xb: {  	s24 =	sshrl.u32 s7, $0x3;
	s12 =	sshrl.u32 s6, $0x1;
	s14 =	sadd.s32 s7, s2  }
0xc: {  	s13 =	sadd.s32 s24, s5;
	s10 =	sadd.s32 s10, s5;
	s12 =	ssub.s32 s6, s12  }
.Ltmp0:
0xd: {  	s6 =	sor.u32 $0x1C05, s31;
	s11 =	sadd.s32 s9, s5;
	(pc) =	sbr.rel .LBB2_1-.Ltmp0, $4  }
0xe: {  	s5 =	sadd.s32 $0x33000, s13;
	s8 =	sadd.s32 s8, s9;
	s25 =	sadd.s32 $0x47000, s10  }
0xf: {  	s9 =	smax.u32 s12, $0x1;
	s10 =	sshrl.u32 s14, $0x3;
	s12 =	simm.s32 $0xA000  }
0x10: {  	s13 =	simm.s32 $0xC710;
	s14 =	simm.s32 $0xC8;
	s7 =	sadd.s32 $0x1800, s11  }
0x11: {  	s11 =	simm.s32 $0x5;
	s24 =	sadd.s32 s24, s25;
	s25 =	simm.s32 $0x0  }
.LBB2_4:
0x12: {  	_ =	swait.ge [sflag:s23], $0x3200  }
0x13: {  	s25 =	sadd.s32 $0x1, s25;
	[sflag:s23] =	ssyncset.done $0x0  }
0x14: {  	p0 =	sne.s32 s25, s9;
	[sflag:s23] =	ssyncadd.s32 $0xFFFFCE00  }
.Ltmp1:
0x15: {  	[bflag:$0x0] =	sbarrier.arrive $0xFFFF;
	(pc) =	sbr.rel @!p0 .LBB2_5-.Ltmp1, $4  }
0x16: {  	[hbm:s24], [sflag:s6] =	dma.local [spmem:s10], $0x1400  }
0x17: {  	_ =	swait.ge [sflag:s11], $0x1400  }
0x18: {  	[sflag:s11] =	ssyncset.done $0x0  }
0x19: {  	[sflag:s11] =	ssyncadd.s32 $0xFFFFEC00  }
.LBB2_1:
0x1a: {  	[spmem:s10], [sflag:s6] =	dma.local [hbm:s5], $0x1400  }
0x1b: {  	_ =	swait.ge [sflag:s11], $0x1400  }
0x1c: {  	[sflag:s11] =	ssyncset.done $0x0  }
0x1d: {  	[sflag:s11] =	ssyncadd.s32 $0xFFFFEC00  }
0x1e: {  	[tilespmem:s12], [sflag:$0x5] =	stream.linear.gather [hbm4b:s7+s3], $0x2710, $0x38;
	[tilespmem:$0x15220] =	vst v63  }
0x1f: {  	_ =	swait.ge [sflag:s11], $0x2710  }
0x20: {  	[sflag:s11] =	ssyncset.done $0x0  }
0x21: {  	[sflag:s11] =	ssyncadd.s32 $0xFFFFD8F0  }
0x22: {  	[tilespmem:s13], [sflag:$0x5] =	stream.linear.gather [hbm4b:s8+s3], $0x2710, $0x38;
	[tilespmem:$0x15220] =	vst v63  }
0x23: {  	_ =	swait.ge [sflag:s11], $0x2710  }
0x24: {  	[sflag:s11] =	ssyncset.done $0x0  }
0x25: {  	[sflag:s11] =	ssyncadd.s32 $0xFFFFD8F0  }
0x26: {  	[bflag:$0x0] =	sbarrier.arrive $0xFFFF  }
0x27: {  	[tilespmem:s15], [sflag:$0x1] =	stream.indirect.gather [hbm4b:s4+s14], $0x40, s12, s14, $0xb8;
	[tilespmem:$0x15220] =	vst v63  }
0x28: {  	_ =	swait.ge [sflag:s16], $0x3200  }
0x29: {  	[sflag:s16] =	ssyncset.done $0x0  }
0x2a: {  	[sflag:s16] =	ssyncadd.s32 $0xFFFFCE00  }
0x2b: {  	[spmem:s2] =	stream.indirect.scatter.add.f32 [tilespmem:s15], [sflag:$0x3], $0x40, s13, s14, $0xb8;
	[tilespmem:$0x15220] =	vst v63  }
0x2c: {  	_ = 	snop  }
0x2d: {  	[tilespmem:s18], [sflag:$0x2] =	stream.indirect.gather [hbm4b:s4+s14], $0x40, s17, s14, $0xb8;
	[tilespmem:$0x15220] =	vst v63  }
0x2e: {  	_ =	swait.ge [sflag:s19], $0x3200  }
0x2f: {  	[sflag:s19] =	ssyncset.done $0x0  }
0x30: {  	[sflag:s19] =	ssyncadd.s32 $0xFFFFCE00  }
0x31: {  	_ =	swait.ge [sflag:s20], $0x3200  }
0x32: {  	[sflag:s20] =	ssyncset.done $0x0  }
0x33: {  	[sflag:s20] =	ssyncadd.s32 $0xFFFFCE00  }
0x34: {  	[spmem:s2] =	stream.indirect.scatter.add.f32 [tilespmem:s18], [sflag:$0x4], $0x40, s21, s14, $0xb8;
	[tilespmem:$0x15220] =	vst v63  }
0x35: {  	s26 =	simm.s32 $0xFFFF7040  }
0x36: {  	[tilespmem:s15], [sflag:$0x1] =	stream.indirect.gather [hbm4b:s4+s14], $0x40, s22, s14, $0xb8;
	[tilespmem:$0x15220] =	vst v63  }
.LBB2_2:
0x37: {  	_ =	swait.ge [sflag:s16], $0x3200  }
0x38: {  	[sflag:s16] =	ssyncset.done $0x0  }
0x39: {  	[sflag:s16] =	ssyncadd.s32 $0xFFFFCE00  }
0x3a: {  	_ =	swait.ge [sflag:s23], $0x3200  }
0x3b: {  	s28 =	sshra.s32 s26, $0x2;
	[sflag:s23] =	ssyncset.done $0x0  }
0x3c: {  	s29 =	sadd.s32 $0xEC90, s28;
	[sflag:s23] =	ssyncadd.s32 $0xFFFFCE00  }
0x3d: {  	[spmem:s2] =	stream.indirect.scatter.add.f32 [tilespmem:s15], [sflag:$0x3], $0x40, s29, s14, $0xb8;
	[tilespmem:$0x15220] =	vst v63  }
0x3e: {  	s30 =	sadd.s32 $0xC648, s28  }
0x3f: {  	[tilespmem:s18], [sflag:$0x2] =	stream.indirect.gather [hbm4b:s4+s14], $0x40, s30, s14, $0xb8;
	[tilespmem:$0x15220] =	vst v63  }
0x40: {  	_ =	swait.ge [sflag:s19], $0x3200  }
0x41: {  	p0 =	seq.s32 s26, $0x0;
	[sflag:s19] =	ssyncset.done $0x0  }
.Ltmp2:
0x42: {  	[sflag:s19] =	ssyncadd.s32 $0xFFFFCE00;
	(pc) =	sbr.rel @p0 .LBB2_4-.Ltmp2, $4  }
0x43: {  	_ =	swait.ge [sflag:s20], $0x3200  }
0x44: {  	[sflag:s20] =	ssyncset.done $0x0  }
0x45: {  	s31 =	sadd.s32 $0xED58, s28;
	[sflag:s20] =	ssyncadd.s32 $0xFFFFCE00  }
0x46: {  	[spmem:s2] =	stream.indirect.scatter.add.f32 [tilespmem:s18], [sflag:$0x4], $0x40, s31, s14, $0xb8;
	[tilespmem:$0x15220] =	vst v63  }
.Ltmp3:
0x47: {  	(pc) =	sbr.rel .LBB2_2-.Ltmp3, $3  }
0x48: {  	_ =	sdelay $0x1  }
0x49: {  	s28 =	sadd.s32 $0xC710, s28;
	s26 =	sadd.s32 $0x640, s26  }
0x4a: {  	[tilespmem:s15], [sflag:$0x1] =	stream.indirect.gather [hbm4b:s4+s14], $0x40, s28, s14, $0xb8;
	[tilespmem:$0x15220] =	vst v63  }
.LBB2_5:
0x4b: {  	_ =	sfence.sel $0x180000  }
0x4c: {  	[bflag:$0x0] =	sbarrier.arrive $0xFFFF  }
0x4d: {  	p0 =	sne.s32 s0, $0x0;
	_ =	strace $0x9000004A  }
0x4e: {  	s0 =	sadd.s32 @!p0 $0x100000, s1;
	[bflag:$0x2] =	sbarrier.arrive $0xFFFF  }
0x4f: {  	[sflag:s0] =	ssyncadd.tile.s32 @!p0 $0x1;
	_ =	shalt  }
.Lfunc_end2:
_tile_overlayer_lowered:
.L_overlay_start_2:
0x50: {  	(tag) =	ssettag $0x2  }
0x51: {  	s0 =	rddreg [dreg:$0x0];
	s2 =	stileid.u32  }
0x52: {  	s1 =	rddreg [dreg:$0x1];
	p0 =	sne.s32 s2, $0x0  }
0x53: {  	s3 =	rddreg [dreg:$0x2];
	[bflag:$0x3] =	sbarrier.arrive $0xFFFF;
	s2 =	simm.s32 @!p0 $0x1C05  }
0x54: {  	[timem:s3], [sflag:s2] =	dma.local @!p0 [hbm:s0], s1  }
0x55: {  	s0 =	simm.s32 @!p0 $0x5  }
0x56: {  	_ =	swait.ge @!p0 [sflag:s0], s1  }
0x57: {  	s1 =	ssub.s32 @!p0 $0x0, s1;
	[sflag:s0] =	ssyncset.done @!p0 $0x0  }
0x58: {  	[sflag:s0] =	ssyncadd.s32 @!p0 s1  }
0x59: {  	[bflag:$0x3] =	sbarrier.arrive $0xFFFF  }
0x5a: {  	_ =	shalt  }

</sc_bundles>
